<compile_context>
chip_gen: v7x
topology: tpu7x:2x2x1
jax: 0.10.2.dev20260603
libtpu: 0.0.44.dev20260713+nightly
codegen_flags: <defaults>
</compile_context>

<pallas_src>
import functools

import jax
import jax.numpy as jnp
from jax import lax
from jax.experimental import pallas as pl
from jax.experimental.pallas import tpu as pltpu
from jax.experimental.pallas import tpu_sc as plsc

NUM_CORES = 2
NUM_SUBCORES = 16
NW = NUM_CORES * NUM_SUBCORES

C = 16
S = 6
G = 4


@functools.partial(jax.jit, static_argnames=("n", "d"))
def _gather_sc(idx, encoding, n, d):
    b_per_w = n // NW
    n_chunks = b_per_w // C
    mesh = plsc.VectorSubcoreMesh(core_axis_name="c", subcore_axis_name="s")

    @functools.partial(
        pl.kernel,
        mesh=mesh,
        out_type=jax.ShapeDtypeStruct((n, d), jnp.float32),
        scratch_types=(
            [pltpu.VMEM((n_chunks, C), jnp.int32)]
            + [pltpu.VMEM((C, d), jnp.float32) for _ in range(S)]
            + [pltpu.SemaphoreType.DMA for _ in range(2 * S)]
        ),
    )
    def k(enc_hbm, idx_hbm, out_hbm, idx_v, *bufsems):
        bufs = bufsems[:S]
        gsems = bufsems[S:2 * S]
        wsems = bufsems[2 * S:]
        wid = lax.axis_index("s") * NUM_CORES + lax.axis_index("c")
        base = wid * b_per_w

        pltpu.sync_copy(idx_hbm.at[wid], idx_v)

        def gather_start(j, slot):
            pltpu.async_copy(enc_hbm.at[idx_v.at[j]], bufs[slot], gsems[slot])

        def gather_wait(j, slot):
            pltpu.make_async_copy(
                enc_hbm.at[idx_v.at[j]], bufs[slot], gsems[slot]
            ).wait()

        def write_start(j, slot):
            pltpu.async_copy(
                bufs[slot], out_hbm.at[pl.ds(base + j * C, C)], wsems[slot]
            )

        def write_wait(j, slot):
            pltpu.make_async_copy(
                bufs[slot], out_hbm.at[pl.ds(base + j * C, C)], wsems[slot]
            ).wait()

        def step(j, slot, with_wait_w, with_start_g):
            gather_wait(j, slot)
            write_start(j, slot)
            if with_wait_w:
                write_wait(j - (S - G), (slot + G) % S)
            if with_start_g:
                gather_start(j + G, (slot + G) % S)

        for g in range(G):
            gather_start(g, g % S)

        lo = S - G
        hi = n_chunks - G
        for j in range(lo):
            step(j, j % S, False, True)

        n_main = hi - lo
        n_groups = n_main // S

        def body(gi, carry):
            j0 = lo + S * gi
            for i in range(S):
                step(j0 + i, (lo + i) % S, True, True)
            return carry

        lax.fori_loop(0, n_groups, body, 0)
        for j in range(lo + n_groups * S, hi):
            step(j, j % S, True, True)

        for j in range(hi, n_chunks):
            step(j, j % S, True, False)
        for j in range(n_chunks - (S - G), n_chunks):
            write_wait(j, j % S)

    return k(encoding, idx)


def kernel(x, encoding):
    b, s = x.shape
    v, d = encoding.shape
    n = b * s
    idx = x.reshape(NW, (n // NW) // C, C).astype(jnp.int32)
    out = _gather_sc(idx, encoding, n, d)
    return out.reshape(b, s, d)

# --- scband reference (transcript-rebuilt; emitter-appended) ---
"""Pipeline reference for scband-positional-encoding-63093069578713 (READ-ONLY COPY).

The authoritative reference and input builder live on the scoring server;
editing this copy changes nothing except your own understanding.
"""

import jax, jax.numpy as jnp
import numpy as np
import math

D_MODEL = 1024
MAX_SEQ_LEN = 8192

def _build_encoding(max_seq_len, d_model):
    position = np.arange(0, max_seq_len, dtype=np.float32)[:, None]
    div_term = np.exp(np.arange(0, d_model, 2, dtype=np.float32) * (-math.log(10000.0) / d_model))
    enc = np.zeros((max_seq_len, d_model), dtype=np.float32)
    enc[:, 0::2] = np.sin(position * div_term)
    enc[:, 1::2] = np.cos(position * div_term)
    return jnp.asarray(enc)

def setup_inputs(seed: int = 0) -> dict:
    key = jax.random.key(seed)
    k1, _ = jax.random.split(key)
    x = jax.random.randint(k1, (4, 8192), 0, MAX_SEQ_LEN, dtype=jnp.int64 if jax.config.jax_enable_x64 else jnp.int32)
    encoding = _build_encoding(MAX_SEQ_LEN, D_MODEL)
    return {"x": x, "encoding": encoding}

def reference(x, encoding):
    # Faithful translation of: return self.encoding[x, :]
    return jnp.take(encoding, x, axis=0)

if __name__ == "__main__":
    import jax
    _d = setup_inputs()
    print(jax.jit(kernel)(*tuple(_d.values())))

</pallas_src>

<mosaic_0001>
#map = affine_map<(d0, d1) -> (0, 0)>
#map1 = affine_map<(d0, d1) -> (0, 0, 0)>
module attributes {stable_mosaic.version = 14 : i64} {
  func.func @k(%arg0: i32, %arg1: i32, %arg2: memref<8192x1024xf32, #tpu.memory_space<hbm>>, %arg3: memref<32x64x16xi32, #tpu.memory_space<hbm>>, %arg4: memref<32768x1024xf32, #tpu.memory_space<hbm>>, %arg5: memref<64x16xi32, #tpu.memory_space<vmem>>, %arg6: memref<16x1024xf32, #tpu.memory_space<vmem>>, %arg7: memref<16x1024xf32, #tpu.memory_space<vmem>>, %arg8: memref<16x1024xf32, #tpu.memory_space<vmem>>, %arg9: memref<16x1024xf32, #tpu.memory_space<vmem>>, %arg10: memref<16x1024xf32, #tpu.memory_space<vmem>>, %arg11: memref<16x1024xf32, #tpu.memory_space<vmem>>, %arg12: memref<!tpu.dma_semaphore, #tpu.memory_space<semaphore_mem>>, %arg13: memref<!tpu.dma_semaphore, #tpu.memory_space<semaphore_mem>>, %arg14: memref<!tpu.dma_semaphore, #tpu.memory_space<semaphore_mem>>, %arg15: memref<!tpu.dma_semaphore, #tpu.memory_space<semaphore_mem>>, %arg16: memref<!tpu.dma_semaphore, #tpu.memory_space<semaphore_mem>>, %arg17: memref<!tpu.dma_semaphore, #tpu.memory_space<semaphore_mem>>, %arg18: memref<!tpu.dma_semaphore, #tpu.memory_space<semaphore_mem>>, %arg19: memref<!tpu.dma_semaphore, #tpu.memory_space<semaphore_mem>>, %arg20: memref<!tpu.dma_semaphore, #tpu.memory_space<semaphore_mem>>, %arg21: memref<!tpu.dma_semaphore, #tpu.memory_space<semaphore_mem>>, %arg22: memref<!tpu.dma_semaphore, #tpu.memory_space<semaphore_mem>>, %arg23: memref<!tpu.dma_semaphore, #tpu.memory_space<semaphore_mem>>) attributes {dimension_semantics = [#tpu.dimension_semantics<core_parallel>, #tpu.dimension_semantics<subcore_parallel>], iteration_bounds = array<i64: 2, 16>, scalar_prefetch = 0 : i64, scratch_operands = 19 : i64, tpu.core_type = #tpu.core_type<sc_vector_subcore>, window_params = [{transform_indices = #map}, {transform_indices = #map1}, {transform_indices = #map}]} {
    %mul3A = arith.constant 2 : i32
    %mul3A_0 = arith.muli %arg1, %mul3A : i32
    %add3A = arith.addi %mul3A_0, %arg0 : i32
    %mul3A_1 = arith.constant 1024 : i32
    %mul3A_2 = arith.muli %add3A, %mul3A_1 : i32
    "tpu.region"() ({
      %run_scoped3A = tpu.sem_alloc : memref<!tpu.dma_semaphore, #tpu.memory_space<semaphore_mem>>
      %dma_start3A_266 = arith.constant 0 : i32
      %dma_start3A_267 = arith.constant 0 : i32
      %dma_start3A_268 = tpu.memref_slice %arg3[%add3A, %dma_start3A_266, %dma_start3A_267] : memref<32x64x16xi32, #tpu.memory_space<hbm>> -> memref<1x64x16xi32, #tpu.memory_space<hbm>>
      %dma_start3A_269 = tpu.memref_squeeze %dma_start3A_268 : memref<1x64x16xi32, #tpu.memory_space<hbm>> -> memref<64x16xi32, #tpu.memory_space<hbm>>
      %dma_start3A_270 = arith.constant 0 : i32
      %dma_start3A_271 = arith.constant 0 : i32
      %dma_start3A_272 = tpu.memref_slice %arg3[%add3A, %dma_start3A_270, %dma_start3A_271] : memref<32x64x16xi32, #tpu.memory_space<hbm>> -> memref<1x64x16xi32, #tpu.memory_space<hbm>>
      %dma_start3A_273 = tpu.memref_squeeze %dma_start3A_272 : memref<1x64x16xi32, #tpu.memory_space<hbm>> -> memref<64x16xi32, #tpu.memory_space<hbm>>
      tpu.enqueue_dma source(%dma_start3A_273 : memref<64x16xi32, #tpu.memory_space<hbm>>) target(%arg5 : memref<64x16xi32, #tpu.memory_space<vmem>>) target_semaphore(%run_scoped3A : memref<!tpu.dma_semaphore, #tpu.memory_space<semaphore_mem>>)
      %dma_wait3A_274 = arith.constant 0 : i32
      %dma_wait3A_275 = arith.constant 0 : i32
      %dma_wait3A_276 = tpu.memref_slice %arg3[%add3A, %dma_wait3A_274, %dma_wait3A_275] : memref<32x64x16xi32, #tpu.memory_space<hbm>> -> memref<1x64x16xi32, #tpu.memory_space<hbm>>
      %dma_wait3A_277 = tpu.memref_squeeze %dma_wait3A_276 : memref<1x64x16xi32, #tpu.memory_space<hbm>> -> memref<64x16xi32, #tpu.memory_space<hbm>>
      %dma_wait3A_278 = arith.constant 0 : i32
      %dma_wait3A_279 = arith.constant 0 : i32
      %dma_wait3A_280 = tpu.memref_slice %arg3[%add3A, %dma_wait3A_278, %dma_wait3A_279] : memref<32x64x16xi32, #tpu.memory_space<hbm>> -> memref<1x64x16xi32, #tpu.memory_space<hbm>>
      %dma_wait3A_281 = tpu.memref_squeeze %dma_wait3A_280 : memref<1x64x16xi32, #tpu.memory_space<hbm>> -> memref<64x16xi32, #tpu.memory_space<hbm>>
      tpu.wait_dma2 semaphore(%run_scoped3A : memref<!tpu.dma_semaphore, #tpu.memory_space<semaphore_mem>>) src(%dma_wait3A_281 : memref<64x16xi32, #tpu.memory_space<hbm>>) dst(%arg5 : memref<64x16xi32, #tpu.memory_space<vmem>>)
      tpu.yield
    }) : () -> ()
    %dma_start3A = arith.constant 0 : i32
    %dma_start3A_3 = arith.constant 0 : i32
    %dma_start3A_4 = tpu.memref_slice %arg5[%dma_start3A, %dma_start3A_3] : memref<64x16xi32, #tpu.memory_space<vmem>> -> memref<1x16xi32, #tpu.memory_space<vmem>>
    %dma_start3A_5 = tpu.memref_squeeze %dma_start3A_4 : memref<1x16xi32, #tpu.memory_space<vmem>> -> memref<16xi32, #tpu.memory_space<vmem>>
    %dma_start3A_6 = arith.constant 0 : i32
    %dma_start3A_7 = arith.constant 0 : i32
    %dma_start3A_8 = tpu.memref_slice %arg2[%dma_start3A_6, %dma_start3A_7] : memref<8192x1024xf32, #tpu.memory_space<hbm>> -> memref<8192x1024xf32, #tpu.memory_space<hbm>>
    tpu.enqueue_indirect_dma source(%dma_start3A_8 : memref<8192x1024xf32, #tpu.memory_space<hbm>>) target(%arg6 : memref<16x1024xf32, #tpu.memory_space<vmem>>) offsets(%dma_start3A_5 : memref<16xi32, #tpu.memory_space<vmem>>) semaphore(%arg12 : memref<!tpu.dma_semaphore, #tpu.memory_space<semaphore_mem>>)
    %dma_start3A_9 = arith.constant 1 : i32
    %dma_start3A_10 = arith.constant 0 : i32
    %dma_start3A_11 = tpu.memref_slice %arg5[%dma_start3A_9, %dma_start3A_10] : memref<64x16xi32, #tpu.memory_space<vmem>> -> memref<1x16xi32, #tpu.memory_space<vmem>>
    %dma_start3A_12 = tpu.memref_squeeze %dma_start3A_11 : memref<1x16xi32, #tpu.memory_space<vmem>> -> memref<16xi32, #tpu.memory_space<vmem>>
    %dma_start3A_13 = arith.constant 0 : i32
    %dma_start3A_14 = arith.constant 0 : i32
    %dma_start3A_15 = tpu.memref_slice %arg2[%dma_start3A_13, %dma_start3A_14] : memref<8192x1024xf32, #tpu.memory_space<hbm>> -> memref<8192x1024xf32, #tpu.memory_space<hbm>>
    tpu.enqueue_indirect_dma source(%dma_start3A_15 : memref<8192x1024xf32, #tpu.memory_space<hbm>>) target(%arg7 : memref<16x1024xf32, #tpu.memory_space<vmem>>) offsets(%dma_start3A_12 : memref<16xi32, #tpu.memory_space<vmem>>) semaphore(%arg13 : memref<!tpu.dma_semaphore, #tpu.memory_space<semaphore_mem>>)
    %dma_start3A_16 = arith.constant 2 : i32
    %dma_start3A_17 = arith.constant 0 : i32
    %dma_start3A_18 = tpu.memref_slice %arg5[%dma_start3A_16, %dma_start3A_17] : memref<64x16xi32, #tpu.memory_space<vmem>> -> memref<1x16xi32, #tpu.memory_space<vmem>>
    %dma_start3A_19 = tpu.memref_squeeze %dma_start3A_18 : memref<1x16xi32, #tpu.memory_space<vmem>> -> memref<16xi32, #tpu.memory_space<vmem>>
    %dma_start3A_20 = arith.constant 0 : i32
    %dma_start3A_21 = arith.constant 0 : i32
    %dma_start3A_22 = tpu.memref_slice %arg2[%dma_start3A_20, %dma_start3A_21] : memref<8192x1024xf32, #tpu.memory_space<hbm>> -> memref<8192x1024xf32, #tpu.memory_space<hbm>>
    tpu.enqueue_indirect_dma source(%dma_start3A_22 : memref<8192x1024xf32, #tpu.memory_space<hbm>>) target(%arg8 : memref<16x1024xf32, #tpu.memory_space<vmem>>) offsets(%dma_start3A_19 : memref<16xi32, #tpu.memory_space<vmem>>) semaphore(%arg14 : memref<!tpu.dma_semaphore, #tpu.memory_space<semaphore_mem>>)
    %dma_start3A_23 = arith.constant 3 : i32
    %dma_start3A_24 = arith.constant 0 : i32
    %dma_start3A_25 = tpu.memref_slice %arg5[%dma_start3A_23, %dma_start3A_24] : memref<64x16xi32, #tpu.memory_space<vmem>> -> memref<1x16xi32, #tpu.memory_space<vmem>>
    %dma_start3A_26 = tpu.memref_squeeze %dma_start3A_25 : memref<1x16xi32, #tpu.memory_space<vmem>> -> memref<16xi32, #tpu.memory_space<vmem>>
    %dma_start3A_27 = arith.constant 0 : i32
    %dma_start3A_28 = arith.constant 0 : i32
    %dma_start3A_29 = tpu.memref_slice %arg2[%dma_start3A_27, %dma_start3A_28] : memref<8192x1024xf32, #tpu.memory_space<hbm>> -> memref<8192x1024xf32, #tpu.memory_space<hbm>>
    tpu.enqueue_indirect_dma source(%dma_start3A_29 : memref<8192x1024xf32, #tpu.memory_space<hbm>>) target(%arg9 : memref<16x1024xf32, #tpu.memory_space<vmem>>) offsets(%dma_start3A_26 : memref<16xi32, #tpu.memory_space<vmem>>) semaphore(%arg15 : memref<!tpu.dma_semaphore, #tpu.memory_space<semaphore_mem>>)
    %dma_wait3A = arith.constant 0 : i32
    %dma_wait3A_30 = arith.constant 0 : i32
    %dma_wait3A_31 = tpu.memref_slice %arg5[%dma_wait3A, %dma_wait3A_30] : memref<64x16xi32, #tpu.memory_space<vmem>> -> memref<1x16xi32, #tpu.memory_space<vmem>>
    %dma_wait3A_32 = tpu.memref_squeeze %dma_wait3A_31 : memref<1x16xi32, #tpu.memory_space<vmem>> -> memref<16xi32, #tpu.memory_space<vmem>>
    %dma_wait3A_33 = arith.constant 0 : i32
    %dma_wait3A_34 = arith.constant 0 : i32
    %dma_wait3A_35 = tpu.memref_slice %arg2[%dma_wait3A_33, %dma_wait3A_34] : memref<8192x1024xf32, #tpu.memory_space<hbm>> -> memref<8192x1024xf32, #tpu.memory_space<hbm>>
    tpu.wait_indirect_dma semaphore(%arg12 : memref<!tpu.dma_semaphore, #tpu.memory_space<semaphore_mem>>) src(%dma_wait3A_35 : memref<8192x1024xf32, #tpu.memory_space<hbm>>) dst(%arg6 : memref<16x1024xf32, #tpu.memory_space<vmem>>)
    %add3A_36 = arith.constant 0 : i32
    %add3A_37 = arith.addi %mul3A_2, %add3A_36 : i32
    %dma_start3A_38 = arith.constant 0 : i32
    %dma_start3A_39 = tpu.memref_slice %arg4[%add3A_37, %dma_start3A_38] : memref<32768x1024xf32, #tpu.memory_space<hbm>> -> memref<16x1024xf32, #tpu.memory_space<hbm>>
    %dma_start3A_40 = arith.constant 0 : i32
    %dma_start3A_41 = tpu.memref_slice %arg4[%add3A_37, %dma_start3A_40] : memref<32768x1024xf32, #tpu.memory_space<hbm>> -> memref<16x1024xf32, #tpu.memory_space<hbm>>
    tpu.enqueue_dma source(%arg6 : memref<16x1024xf32, #tpu.memory_space<vmem>>) target(%dma_start3A_41 : memref<16x1024xf32, #tpu.memory_space<hbm>>) target_semaphore(%arg18 : memref<!tpu.dma_semaphore, #tpu.memory_space<semaphore_mem>>)
    %dma_start3A_42 = arith.constant 4 : i32
    %dma_start3A_43 = arith.constant 0 : i32
    %dma_start3A_44 = tpu.memref_slice %arg5[%dma_start3A_42, %dma_start3A_43] : memref<64x16xi32, #tpu.memory_space<vmem>> -> memref<1x16xi32, #tpu.memory_space<vmem>>
    %dma_start3A_45 = tpu.memref_squeeze %dma_start3A_44 : memref<1x16xi32, #tpu.memory_space<vmem>> -> memref<16xi32, #tpu.memory_space<vmem>>
    %dma_start3A_46 = arith.constant 0 : i32
    %dma_start3A_47 = arith.constant 0 : i32
    %dma_start3A_48 = tpu.memref_slice %arg2[%dma_start3A_46, %dma_start3A_47] : memref<8192x1024xf32, #tpu.memory_space<hbm>> -> memref<8192x1024xf32, #tpu.memory_space<hbm>>
    tpu.enqueue_indirect_dma source(%dma_start3A_48 : memref<8192x1024xf32, #tpu.memory_space<hbm>>) target(%arg10 : memref<16x1024xf32, #tpu.memory_space<vmem>>) offsets(%dma_start3A_45 : memref<16xi32, #tpu.memory_space<vmem>>) semaphore(%arg16 : memref<!tpu.dma_semaphore, #tpu.memory_space<semaphore_mem>>)
    %dma_wait3A_49 = arith.constant 1 : i32
    %dma_wait3A_50 = arith.constant 0 : i32
    %dma_wait3A_51 = tpu.memref_slice %arg5[%dma_wait3A_49, %dma_wait3A_50] : memref<64x16xi32, #tpu.memory_space<vmem>> -> memref<1x16xi32, #tpu.memory_space<vmem>>
    %dma_wait3A_52 = tpu.memref_squeeze %dma_wait3A_51 : memref<1x16xi32, #tpu.memory_space<vmem>> -> memref<16xi32, #tpu.memory_space<vmem>>
    %dma_wait3A_53 = arith.constant 0 : i32
    %dma_wait3A_54 = arith.constant 0 : i32
    %dma_wait3A_55 = tpu.memref_slice %arg2[%dma_wait3A_53, %dma_wait3A_54] : memref<8192x1024xf32, #tpu.memory_space<hbm>> -> memref<8192x1024xf32, #tpu.memory_space<hbm>>
    tpu.wait_indirect_dma semaphore(%arg13 : memref<!tpu.dma_semaphore, #tpu.memory_space<semaphore_mem>>) src(%dma_wait3A_55 : memref<8192x1024xf32, #tpu.memory_space<hbm>>) dst(%arg7 : memref<16x1024xf32, #tpu.memory_space<vmem>>)
    %add3A_56 = arith.constant 16 : i32
    %add3A_57 = arith.addi %mul3A_2, %add3A_56 : i32
    %dma_start3A_58 = arith.constant 0 : i32
    %dma_start3A_59 = tpu.memref_slice %arg4[%add3A_57, %dma_start3A_58] : memref<32768x1024xf32, #tpu.memory_space<hbm>> -> memref<16x1024xf32, #tpu.memory_space<hbm>>
    %dma_start3A_60 = arith.constant 0 : i32
    %dma_start3A_61 = tpu.memref_slice %arg4[%add3A_57, %dma_start3A_60] : memref<32768x1024xf32, #tpu.memory_space<hbm>> -> memref<16x1024xf32, #tpu.memory_space<hbm>>
    tpu.enqueue_dma source(%arg7 : memref<16x1024xf32, #tpu.memory_space<vmem>>) target(%dma_start3A_61 : memref<16x1024xf32, #tpu.memory_space<hbm>>) target_semaphore(%arg19 : memref<!tpu.dma_semaphore, #tpu.memory_space<semaphore_mem>>)
    %dma_start3A_62 = arith.constant 5 : i32
    %dma_start3A_63 = arith.constant 0 : i32
    %dma_start3A_64 = tpu.memref_slice %arg5[%dma_start3A_62, %dma_start3A_63] : memref<64x16xi32, #tpu.memory_space<vmem>> -> memref<1x16xi32, #tpu.memory_space<vmem>>
    %dma_start3A_65 = tpu.memref_squeeze %dma_start3A_64 : memref<1x16xi32, #tpu.memory_space<vmem>> -> memref<16xi32, #tpu.memory_space<vmem>>
    %dma_start3A_66 = arith.constant 0 : i32
    %dma_start3A_67 = arith.constant 0 : i32
    %dma_start3A_68 = tpu.memref_slice %arg2[%dma_start3A_66, %dma_start3A_67] : memref<8192x1024xf32, #tpu.memory_space<hbm>> -> memref<8192x1024xf32, #tpu.memory_space<hbm>>
    tpu.enqueue_indirect_dma source(%dma_start3A_68 : memref<8192x1024xf32, #tpu.memory_space<hbm>>) target(%arg11 : memref<16x1024xf32, #tpu.memory_space<vmem>>) offsets(%dma_start3A_65 : memref<16xi32, #tpu.memory_space<vmem>>) semaphore(%arg17 : memref<!tpu.dma_semaphore, #tpu.memory_space<semaphore_mem>>)
    %scan3A = arith.constant 0 : i32
    %scan3A_69 = arith.constant 0 : i32
    %scan3A_70 = arith.constant 9 : i32
    %scan3A_71 = arith.addi %scan3A_69, %scan3A_70 : i32
    %scan3A_72 = arith.constant 1 : i32
    scf.for %scan3A_266 = %scan3A_69 to %scan3A_71 step %scan3A_72  : i32 {
      %mul3A_267 = arith.constant 6 : i32
      %mul3A_268 = arith.muli %mul3A_267, %scan3A_266 : i32
      %add3A_269 = arith.constant 2 : i32
      %add3A_270 = arith.addi %add3A_269, %mul3A_268 : i32
      %add3A_271 = arith.constant 0 : i32
      %add3A_272 = arith.addi %add3A_270, %add3A_271 : i32
      %dma_wait3A_273 = arith.constant 0 : i32
      %dma_wait3A_274 = tpu.memref_slice %arg5[%add3A_272, %dma_wait3A_273] : memref<64x16xi32, #tpu.memory_space<vmem>> -> memref<1x16xi32, #tpu.memory_space<vmem>>
      %dma_wait3A_275 = tpu.memref_squeeze %dma_wait3A_274 : memref<1x16xi32, #tpu.memory_space<vmem>> -> memref<16xi32, #tpu.memory_space<vmem>>
      %dma_wait3A_276 = arith.constant 0 : i32
      %dma_wait3A_277 = arith.constant 0 : i32
      %dma_wait3A_278 = tpu.memref_slice %arg2[%dma_wait3A_276, %dma_wait3A_277] : memref<8192x1024xf32, #tpu.memory_space<hbm>> -> memref<8192x1024xf32, #tpu.memory_space<hbm>>
      tpu.wait_indirect_dma semaphore(%arg14 : memref<!tpu.dma_semaphore, #tpu.memory_space<semaphore_mem>>) src(%dma_wait3A_278 : memref<8192x1024xf32, #tpu.memory_space<hbm>>) dst(%arg8 : memref<16x1024xf32, #tpu.memory_space<vmem>>)
      %mul3A_279 = arith.constant 16 : i32
      %mul3A_280 = arith.muli %add3A_272, %mul3A_279 : i32
      %add3A_281 = arith.addi %mul3A_2, %mul3A_280 : i32
      %dma_start3A_282 = arith.constant 0 : i32
      %dma_start3A_283 = tpu.memref_slice %arg4[%add3A_281, %dma_start3A_282] : memref<32768x1024xf32, #tpu.memory_space<hbm>> -> memref<16x1024xf32, #tpu.memory_space<hbm>>
      %dma_start3A_284 = arith.constant 0 : i32
      %dma_start3A_285 = tpu.memref_slice %arg4[%add3A_281, %dma_start3A_284] : memref<32768x1024xf32, #tpu.memory_space<hbm>> -> memref<16x1024xf32, #tpu.memory_space<hbm>>
      tpu.enqueue_dma source(%arg8 : memref<16x1024xf32, #tpu.memory_space<vmem>>) target(%dma_start3A_285 : memref<16x1024xf32, #tpu.memory_space<hbm>>) target_semaphore(%arg20 : memref<!tpu.dma_semaphore, #tpu.memory_space<semaphore_mem>>)
      %sub3A = arith.constant 2 : i32
      %sub3A_286 = arith.subi %add3A_272, %sub3A : i32
      %mul3A_287 = arith.constant 16 : i32
      %mul3A_288 = arith.muli %sub3A_286, %mul3A_287 : i32
      %add3A_289 = arith.addi %mul3A_2, %mul3A_288 : i32
      %dma_wait3A_290 = arith.constant 0 : i32
      %dma_wait3A_291 = tpu.memref_slice %arg4[%add3A_289, %dma_wait3A_290] : memref<32768x1024xf32, #tpu.memory_space<hbm>> -> memref<16x1024xf32, #tpu.memory_space<hbm>>
      %dma_wait3A_292 = arith.constant 0 : i32
      %dma_wait3A_293 = tpu.memref_slice %arg4[%add3A_289, %dma_wait3A_292] : memref<32768x1024xf32, #tpu.memory_space<hbm>> -> memref<16x1024xf32, #tpu.memory_space<hbm>>
      tpu.wait_dma2 semaphore(%arg18 : memref<!tpu.dma_semaphore, #tpu.memory_space<semaphore_mem>>) src(%arg6 : memref<16x1024xf32, #tpu.memory_space<vmem>>) dst(%dma_wait3A_293 : memref<16x1024xf32, #tpu.memory_space<hbm>>)
      %add3A_294 = arith.constant 4 : i32
      %add3A_295 = arith.addi %add3A_272, %add3A_294 : i32
      %dma_start3A_296 = arith.constant 0 : i32
      %dma_start3A_297 = tpu.memref_slice %arg5[%add3A_295, %dma_start3A_296] : memref<64x16xi32, #tpu.memory_space<vmem>> -> memref<1x16xi32, #tpu.memory_space<vmem>>
      %dma_start3A_298 = tpu.memref_squeeze %dma_start3A_297 : memref<1x16xi32, #tpu.memory_space<vmem>> -> memref<16xi32, #tpu.memory_space<vmem>>
      %dma_start3A_299 = arith.constant 0 : i32
      %dma_start3A_300 = arith.constant 0 : i32
      %dma_start3A_301 = tpu.memref_slice %arg2[%dma_start3A_299, %dma_start3A_300] : memref<8192x1024xf32, #tpu.memory_space<hbm>> -> memref<8192x1024xf32, #tpu.memory_space<hbm>>
      tpu.enqueue_indirect_dma source(%dma_start3A_301 : memref<8192x1024xf32, #tpu.memory_space<hbm>>) target(%arg6 : memref<16x1024xf32, #tpu.memory_space<vmem>>) offsets(%dma_start3A_298 : memref<16xi32, #tpu.memory_space<vmem>>) semaphore(%arg12 : memref<!tpu.dma_semaphore, #tpu.memory_space<semaphore_mem>>)
      %add3A_302 = arith.constant 1 : i32
      %add3A_303 = arith.addi %add3A_270, %add3A_302 : i32
      %dma_wait3A_304 = arith.constant 0 : i32
      %dma_wait3A_305 = tpu.memref_slice %arg5[%add3A_303, %dma_wait3A_304] : memref<64x16xi32, #tpu.memory_space<vmem>> -> memref<1x16xi32, #tpu.memory_space<vmem>>
      %dma_wait3A_306 = tpu.memref_squeeze %dma_wait3A_305 : memref<1x16xi32, #tpu.memory_space<vmem>> -> memref<16xi32, #tpu.memory_space<vmem>>
      %dma_wait3A_307 = arith.constant 0 : i32
      %dma_wait3A_308 = arith.constant 0 : i32
      %dma_wait3A_309 = tpu.memref_slice %arg2[%dma_wait3A_307, %dma_wait3A_308] : memref<8192x1024xf32, #tpu.memory_space<hbm>> -> memref<8192x1024xf32, #tpu.memory_space<hbm>>
      tpu.wait_indirect_dma semaphore(%arg15 : memref<!tpu.dma_semaphore, #tpu.memory_space<semaphore_mem>>) src(%dma_wait3A_309 : memref<8192x1024xf32, #tpu.memory_space<hbm>>) dst(%arg9 : memref<16x1024xf32, #tpu.memory_space<vmem>>)
      %mul3A_310 = arith.constant 16 : i32
      %mul3A_311 = arith.muli %add3A_303, %mul3A_310 : i32
      %add3A_312 = arith.addi %mul3A_2, %mul3A_311 : i32
      %dma_start3A_313 = arith.constant 0 : i32
      %dma_start3A_314 = tpu.memref_slice %arg4[%add3A_312, %dma_start3A_313] : memref<32768x1024xf32, #tpu.memory_space<hbm>> -> memref<16x1024xf32, #tpu.memory_space<hbm>>
      %dma_start3A_315 = arith.constant 0 : i32
      %dma_start3A_316 = tpu.memref_slice %arg4[%add3A_312, %dma_start3A_315] : memref<32768x1024xf32, #tpu.memory_space<hbm>> -> memref<16x1024xf32, #tpu.memory_space<hbm>>
      tpu.enqueue_dma source(%arg9 : memref<16x1024xf32, #tpu.memory_space<vmem>>) target(%dma_start3A_316 : memref<16x1024xf32, #tpu.memory_space<hbm>>) target_semaphore(%arg21 : memref<!tpu.dma_semaphore, #tpu.memory_space<semaphore_mem>>)
      %sub3A_317 = arith.constant 2 : i32
      %sub3A_318 = arith.subi %add3A_303, %sub3A_317 : i32
      %mul3A_319 = arith.constant 16 : i32
      %mul3A_320 = arith.muli %sub3A_318, %mul3A_319 : i32
      %add3A_321 = arith.addi %mul3A_2, %mul3A_320 : i32
      %dma_wait3A_322 = arith.constant 0 : i32
      %dma_wait3A_323 = tpu.memref_slice %arg4[%add3A_321, %dma_wait3A_322] : memref<32768x1024xf32, #tpu.memory_space<hbm>> -> memref<16x1024xf32, #tpu.memory_space<hbm>>
      %dma_wait3A_324 = arith.constant 0 : i32
      %dma_wait3A_325 = tpu.memref_slice %arg4[%add3A_321, %dma_wait3A_324] : memref<32768x1024xf32, #tpu.memory_space<hbm>> -> memref<16x1024xf32, #tpu.memory_space<hbm>>
      tpu.wait_dma2 semaphore(%arg19 : memref<!tpu.dma_semaphore, #tpu.memory_space<semaphore_mem>>) src(%arg7 : memref<16x1024xf32, #tpu.memory_space<vmem>>) dst(%dma_wait3A_325 : memref<16x1024xf32, #tpu.memory_space<hbm>>)
      %add3A_326 = arith.constant 4 : i32
      %add3A_327 = arith.addi %add3A_303, %add3A_326 : i32
      %dma_start3A_328 = arith.constant 0 : i32
      %dma_start3A_329 = tpu.memref_slice %arg5[%add3A_327, %dma_start3A_328] : memref<64x16xi32, #tpu.memory_space<vmem>> -> memref<1x16xi32, #tpu.memory_space<vmem>>
      %dma_start3A_330 = tpu.memref_squeeze %dma_start3A_329 : memref<1x16xi32, #tpu.memory_space<vmem>> -> memref<16xi32, #tpu.memory_space<vmem>>
      %dma_start3A_331 = arith.constant 0 : i32
      %dma_start3A_332 = arith.constant 0 : i32
      %dma_start3A_333 = tpu.memref_slice %arg2[%dma_start3A_331, %dma_start3A_332] : memref<8192x1024xf32, #tpu.memory_space<hbm>> -> memref<8192x1024xf32, #tpu.memory_space<hbm>>
      tpu.enqueue_indirect_dma source(%dma_start3A_333 : memref<8192x1024xf32, #tpu.memory_space<hbm>>) target(%arg7 : memref<16x1024xf32, #tpu.memory_space<vmem>>) offsets(%dma_start3A_330 : memref<16xi32, #tpu.memory_space<vmem>>) semaphore(%arg13 : memref<!tpu.dma_semaphore, #tpu.memory_space<semaphore_mem>>)
      %add3A_334 = arith.constant 2 : i32
      %add3A_335 = arith.addi %add3A_270, %add3A_334 : i32
      %dma_wait3A_336 = arith.constant 0 : i32
      %dma_wait3A_337 = tpu.memref_slice %arg5[%add3A_335, %dma_wait3A_336] : memref<64x16xi32, #tpu.memory_space<vmem>> -> memref<1x16xi32, #tpu.memory_space<vmem>>
      %dma_wait3A_338 = tpu.memref_squeeze %dma_wait3A_337 : memref<1x16xi32, #tpu.memory_space<vmem>> -> memref<16xi32, #tpu.memory_space<vmem>>
      %dma_wait3A_339 = arith.constant 0 : i32
      %dma_wait3A_340 = arith.constant 0 : i32
      %dma_wait3A_341 = tpu.memref_slice %arg2[%dma_wait3A_339, %dma_wait3A_340] : memref<8192x1024xf32, #tpu.memory_space<hbm>> -> memref<8192x1024xf32, #tpu.memory_space<hbm>>
      tpu.wait_indirect_dma semaphore(%arg16 : memref<!tpu.dma_semaphore, #tpu.memory_space<semaphore_mem>>) src(%dma_wait3A_341 : memref<8192x1024xf32, #tpu.memory_space<hbm>>) dst(%arg10 : memref<16x1024xf32, #tpu.memory_space<vmem>>)
      %mul3A_342 = arith.constant 16 : i32
      %mul3A_343 = arith.muli %add3A_335, %mul3A_342 : i32
      %add3A_344 = arith.addi %mul3A_2, %mul3A_343 : i32
      %dma_start3A_345 = arith.constant 0 : i32
      %dma_start3A_346 = tpu.memref_slice %arg4[%add3A_344, %dma_start3A_345] : memref<32768x1024xf32, #tpu.memory_space<hbm>> -> memref<16x1024xf32, #tpu.memory_space<hbm>>
      %dma_start3A_347 = arith.constant 0 : i32
      %dma_start3A_348 = tpu.memref_slice %arg4[%add3A_344, %dma_start3A_347] : memref<32768x1024xf32, #tpu.memory_space<hbm>> -> memref<16x1024xf32, #tpu.memory_space<hbm>>
      tpu.enqueue_dma source(%arg10 : memref<16x1024xf32, #tpu.memory_space<vmem>>) target(%dma_start3A_348 : memref<16x1024xf32, #tpu.memory_space<hbm>>) target_semaphore(%arg22 : memref<!tpu.dma_semaphore, #tpu.memory_space<semaphore_mem>>)
      %sub3A_349 = arith.constant 2 : i32
      %sub3A_350 = arith.subi %add3A_335, %sub3A_349 : i32
      %mul3A_351 = arith.constant 16 : i32
      %mul3A_352 = arith.muli %sub3A_350, %mul3A_351 : i32
      %add3A_353 = arith.addi %mul3A_2, %mul3A_352 : i32
      %dma_wait3A_354 = arith.constant 0 : i32
      %dma_wait3A_355 = tpu.memref_slice %arg4[%add3A_353, %dma_wait3A_354] : memref<32768x1024xf32, #tpu.memory_space<hbm>> -> memref<16x1024xf32, #tpu.memory_space<hbm>>
      %dma_wait3A_356 = arith.constant 0 : i32
      %dma_wait3A_357 = tpu.memref_slice %arg4[%add3A_353, %dma_wait3A_356] : memref<32768x1024xf32, #tpu.memory_space<hbm>> -> memref<16x1024xf32, #tpu.memory_space<hbm>>
      tpu.wait_dma2 semaphore(%arg20 : memref<!tpu.dma_semaphore, #tpu.memory_space<semaphore_mem>>) src(%arg8 : memref<16x1024xf32, #tpu.memory_space<vmem>>) dst(%dma_wait3A_357 : memref<16x1024xf32, #tpu.memory_space<hbm>>)
      %add3A_358 = arith.constant 4 : i32
      %add3A_359 = arith.addi %add3A_335, %add3A_358 : i32
      %dma_start3A_360 = arith.constant 0 : i32
      %dma_start3A_361 = tpu.memref_slice %arg5[%add3A_359, %dma_start3A_360] : memref<64x16xi32, #tpu.memory_space<vmem>> -> memref<1x16xi32, #tpu.memory_space<vmem>>
      %dma_start3A_362 = tpu.memref_squeeze %dma_start3A_361 : memref<1x16xi32, #tpu.memory_space<vmem>> -> memref<16xi32, #tpu.memory_space<vmem>>
      %dma_start3A_363 = arith.constant 0 : i32
      %dma_start3A_364 = arith.constant 0 : i32
      %dma_start3A_365 = tpu.memref_slice %arg2[%dma_start3A_363, %dma_start3A_364] : memref<8192x1024xf32, #tpu.memory_space<hbm>> -> memref<8192x1024xf32, #tpu.memory_space<hbm>>
      tpu.enqueue_indirect_dma source(%dma_start3A_365 : memref<8192x1024xf32, #tpu.memory_space<hbm>>) target(%arg8 : memref<16x1024xf32, #tpu.memory_space<vmem>>) offsets(%dma_start3A_362 : memref<16xi32, #tpu.memory_space<vmem>>) semaphore(%arg14 : memref<!tpu.dma_semaphore, #tpu.memory_space<semaphore_mem>>)
      %add3A_366 = arith.constant 3 : i32
      %add3A_367 = arith.addi %add3A_270, %add3A_366 : i32
      %dma_wait3A_368 = arith.constant 0 : i32
      %dma_wait3A_369 = tpu.memref_slice %arg5[%add3A_367, %dma_wait3A_368] : memref<64x16xi32, #tpu.memory_space<vmem>> -> memref<1x16xi32, #tpu.memory_space<vmem>>
      %dma_wait3A_370 = tpu.memref_squeeze %dma_wait3A_369 : memref<1x16xi32, #tpu.memory_space<vmem>> -> memref<16xi32, #tpu.memory_space<vmem>>
      %dma_wait3A_371 = arith.constant 0 : i32
      %dma_wait3A_372 = arith.constant 0 : i32
      %dma_wait3A_373 = tpu.memref_slice %arg2[%dma_wait3A_371, %dma_wait3A_372] : memref<8192x1024xf32, #tpu.memory_space<hbm>> -> memref<8192x1024xf32, #tpu.memory_space<hbm>>
      tpu.wait_indirect_dma semaphore(%arg17 : memref<!tpu.dma_semaphore, #tpu.memory_space<semaphore_mem>>) src(%dma_wait3A_373 : memref<8192x1024xf32, #tpu.memory_space<hbm>>) dst(%arg11 : memref<16x1024xf32, #tpu.memory_space<vmem>>)
      %mul3A_374 = arith.constant 16 : i32
      %mul3A_375 = arith.muli %add3A_367, %mul3A_374 : i32
      %add3A_376 = arith.addi %mul3A_2, %mul3A_375 : i32
      %dma_start3A_377 = arith.constant 0 : i32
      %dma_start3A_378 = tpu.memref_slice %arg4[%add3A_376, %dma_start3A_377] : memref<32768x1024xf32, #tpu.memory_space<hbm>> -> memref<16x1024xf32, #tpu.memory_space<hbm>>
      %dma_start3A_379 = arith.constant 0 : i32
      %dma_start3A_380 = tpu.memref_slice %arg4[%add3A_376, %dma_start3A_379] : memref<32768x1024xf32, #tpu.memory_space<hbm>> -> memref<16x1024xf32, #tpu.memory_space<hbm>>
      tpu.enqueue_dma source(%arg11 : memref<16x1024xf32, #tpu.memory_space<vmem>>) target(%dma_start3A_380 : memref<16x1024xf32, #tpu.memory_space<hbm>>) target_semaphore(%arg23 : memref<!tpu.dma_semaphore, #tpu.memory_space<semaphore_mem>>)
      %sub3A_381 = arith.constant 2 : i32
      %sub3A_382 = arith.subi %add3A_367, %sub3A_381 : i32
      %mul3A_383 = arith.constant 16 : i32
      %mul3A_384 = arith.muli %sub3A_382, %mul3A_383 : i32
      %add3A_385 = arith.addi %mul3A_2, %mul3A_384 : i32
      %dma_wait3A_386 = arith.constant 0 : i32
      %dma_wait3A_387 = tpu.memref_slice %arg4[%add3A_385, %dma_wait3A_386] : memref<32768x1024xf32, #tpu.memory_space<hbm>> -> memref<16x1024xf32, #tpu.memory_space<hbm>>
      %dma_wait3A_388 = arith.constant 0 : i32
      %dma_wait3A_389 = tpu.memref_slice %arg4[%add3A_385, %dma_wait3A_388] : memref<32768x1024xf32, #tpu.memory_space<hbm>> -> memref<16x1024xf32, #tpu.memory_space<hbm>>
      tpu.wait_dma2 semaphore(%arg21 : memref<!tpu.dma_semaphore, #tpu.memory_space<semaphore_mem>>) src(%arg9 : memref<16x1024xf32, #tpu.memory_space<vmem>>) dst(%dma_wait3A_389 : memref<16x1024xf32, #tpu.memory_space<hbm>>)
      %add3A_390 = arith.constant 4 : i32
      %add3A_391 = arith.addi %add3A_367, %add3A_390 : i32
      %dma_start3A_392 = arith.constant 0 : i32
      %dma_start3A_393 = tpu.memref_slice %arg5[%add3A_391, %dma_start3A_392] : memref<64x16xi32, #tpu.memory_space<vmem>> -> memref<1x16xi32, #tpu.memory_space<vmem>>
      %dma_start3A_394 = tpu.memref_squeeze %dma_start3A_393 : memref<1x16xi32, #tpu.memory_space<vmem>> -> memref<16xi32, #tpu.memory_space<vmem>>
      %dma_start3A_395 = arith.constant 0 : i32
      %dma_start3A_396 = arith.constant 0 : i32
      %dma_start3A_397 = tpu.memref_slice %arg2[%dma_start3A_395, %dma_start3A_396] : memref<8192x1024xf32, #tpu.memory_space<hbm>> -> memref<8192x1024xf32, #tpu.memory_space<hbm>>
      tpu.enqueue_indirect_dma source(%dma_start3A_397 : memref<8192x1024xf32, #tpu.memory_space<hbm>>) target(%arg9 : memref<16x1024xf32, #tpu.memory_space<vmem>>) offsets(%dma_start3A_394 : memref<16xi32, #tpu.memory_space<vmem>>) semaphore(%arg15 : memref<!tpu.dma_semaphore, #tpu.memory_space<semaphore_mem>>)
      %add3A_398 = arith.constant 4 : i32
      %add3A_399 = arith.addi %add3A_270, %add3A_398 : i32
      %dma_wait3A_400 = arith.constant 0 : i32
      %dma_wait3A_401 = tpu.memref_slice %arg5[%add3A_399, %dma_wait3A_400] : memref<64x16xi32, #tpu.memory_space<vmem>> -> memref<1x16xi32, #tpu.memory_space<vmem>>
      %dma_wait3A_402 = tpu.memref_squeeze %dma_wait3A_401 : memref<1x16xi32, #tpu.memory_space<vmem>> -> memref<16xi32, #tpu.memory_space<vmem>>
      %dma_wait3A_403 = arith.constant 0 : i32
      %dma_wait3A_404 = arith.constant 0 : i32
      %dma_wait3A_405 = tpu.memref_slice %arg2[%dma_wait3A_403, %dma_wait3A_404] : memref<8192x1024xf32, #tpu.memory_space<hbm>> -> memref<8192x1024xf32, #tpu.memory_space<hbm>>
      tpu.wait_indirect_dma semaphore(%arg12 : memref<!tpu.dma_semaphore, #tpu.memory_space<semaphore_mem>>) src(%dma_wait3A_405 : memref<8192x1024xf32, #tpu.memory_space<hbm>>) dst(%arg6 : memref<16x1024xf32, #tpu.memory_space<vmem>>)
      %mul3A_406 = arith.constant 16 : i32
      %mul3A_407 = arith.muli %add3A_399, %mul3A_406 : i32
      %add3A_408 = arith.addi %mul3A_2, %mul3A_407 : i32
      %dma_start3A_409 = arith.constant 0 : i32
      %dma_start3A_410 = tpu.memref_slice %arg4[%add3A_408, %dma_start3A_409] : memref<32768x1024xf32, #tpu.memory_space<hbm>> -> memref<16x1024xf32, #tpu.memory_space<hbm>>
      %dma_start3A_411 = arith.constant 0 : i32
      %dma_start3A_412 = tpu.memref_slice %arg4[%add3A_408, %dma_start3A_411] : memref<32768x1024xf32, #tpu.memory_space<hbm>> -> memref<16x1024xf32, #tpu.memory_space<hbm>>
      tpu.enqueue_dma source(%arg6 : memref<16x1024xf32, #tpu.memory_space<vmem>>) target(%dma_start3A_412 : memref<16x1024xf32, #tpu.memory_space<hbm>>) target_semaphore(%arg18 : memref<!tpu.dma_semaphore, #tpu.memory_space<semaphore_mem>>)
      %sub3A_413 = arith.constant 2 : i32
      %sub3A_414 = arith.subi %add3A_399, %sub3A_413 : i32
      %mul3A_415 = arith.constant 16 : i32
      %mul3A_416 = arith.muli %sub3A_414, %mul3A_415 : i32
      %add3A_417 = arith.addi %mul3A_2, %mul3A_416 : i32
      %dma_wait3A_418 = arith.constant 0 : i32
      %dma_wait3A_419 = tpu.memref_slice %arg4[%add3A_417, %dma_wait3A_418] : memref<32768x1024xf32, #tpu.memory_space<hbm>> -> memref<16x1024xf32, #tpu.memory_space<hbm>>
      %dma_wait3A_420 = arith.constant 0 : i32
      %dma_wait3A_421 = tpu.memref_slice %arg4[%add3A_417, %dma_wait3A_420] : memref<32768x1024xf32, #tpu.memory_space<hbm>> -> memref<16x1024xf32, #tpu.memory_space<hbm>>
      tpu.wait_dma2 semaphore(%arg22 : memref<!tpu.dma_semaphore, #tpu.memory_space<semaphore_mem>>) src(%arg10 : memref<16x1024xf32, #tpu.memory_space<vmem>>) dst(%dma_wait3A_421 : memref<16x1024xf32, #tpu.memory_space<hbm>>)
      %add3A_422 = arith.constant 4 : i32
      %add3A_423 = arith.addi %add3A_399, %add3A_422 : i32
      %dma_start3A_424 = arith.constant 0 : i32
      %dma_start3A_425 = tpu.memref_slice %arg5[%add3A_423, %dma_start3A_424] : memref<64x16xi32, #tpu.memory_space<vmem>> -> memref<1x16xi32, #tpu.memory_space<vmem>>
      %dma_start3A_426 = tpu.memref_squeeze %dma_start3A_425 : memref<1x16xi32, #tpu.memory_space<vmem>> -> memref<16xi32, #tpu.memory_space<vmem>>
      %dma_start3A_427 = arith.constant 0 : i32
      %dma_start3A_428 = arith.constant 0 : i32
      %dma_start3A_429 = tpu.memref_slice %arg2[%dma_start3A_427, %dma_start3A_428] : memref<8192x1024xf32, #tpu.memory_space<hbm>> -> memref<8192x1024xf32, #tpu.memory_space<hbm>>
      tpu.enqueue_indirect_dma source(%dma_start3A_429 : memref<8192x1024xf32, #tpu.memory_space<hbm>>) target(%arg10 : memref<16x1024xf32, #tpu.memory_space<vmem>>) offsets(%dma_start3A_426 : memref<16xi32, #tpu.memory_space<vmem>>) semaphore(%arg16 : memref<!tpu.dma_semaphore, #tpu.memory_space<semaphore_mem>>)
      %add3A_430 = arith.constant 5 : i32
      %add3A_431 = arith.addi %add3A_270, %add3A_430 : i32
      %dma_wait3A_432 = arith.constant 0 : i32
      %dma_wait3A_433 = tpu.memref_slice %arg5[%add3A_431, %dma_wait3A_432] : memref<64x16xi32, #tpu.memory_space<vmem>> -> memref<1x16xi32, #tpu.memory_space<vmem>>
      %dma_wait3A_434 = tpu.memref_squeeze %dma_wait3A_433 : memref<1x16xi32, #tpu.memory_space<vmem>> -> memref<16xi32, #tpu.memory_space<vmem>>
      %dma_wait3A_435 = arith.constant 0 : i32
      %dma_wait3A_436 = arith.constant 0 : i32
      %dma_wait3A_437 = tpu.memref_slice %arg2[%dma_wait3A_435, %dma_wait3A_436] : memref<8192x1024xf32, #tpu.memory_space<hbm>> -> memref<8192x1024xf32, #tpu.memory_space<hbm>>
      tpu.wait_indirect_dma semaphore(%arg13 : memref<!tpu.dma_semaphore, #tpu.memory_space<semaphore_mem>>) src(%dma_wait3A_437 : memref<8192x1024xf32, #tpu.memory_space<hbm>>) dst(%arg7 : memref<16x1024xf32, #tpu.memory_space<vmem>>)
      %mul3A_438 = arith.constant 16 : i32
      %mul3A_439 = arith.muli %add3A_431, %mul3A_438 : i32
      %add3A_440 = arith.addi %mul3A_2, %mul3A_439 : i32
      %dma_start3A_441 = arith.constant 0 : i32
      %dma_start3A_442 = tpu.memref_slice %arg4[%add3A_440, %dma_start3A_441] : memref<32768x1024xf32, #tpu.memory_space<hbm>> -> memref<16x1024xf32, #tpu.memory_space<hbm>>
      %dma_start3A_443 = arith.constant 0 : i32
      %dma_start3A_444 = tpu.memref_slice %arg4[%add3A_440, %dma_start3A_443] : memref<32768x1024xf32, #tpu.memory_space<hbm>> -> memref<16x1024xf32, #tpu.memory_space<hbm>>
      tpu.enqueue_dma source(%arg7 : memref<16x1024xf32, #tpu.memory_space<vmem>>) target(%dma_start3A_444 : memref<16x1024xf32, #tpu.memory_space<hbm>>) target_semaphore(%arg19 : memref<!tpu.dma_semaphore, #tpu.memory_space<semaphore_mem>>)
      %sub3A_445 = arith.constant 2 : i32
      %sub3A_446 = arith.subi %add3A_431, %sub3A_445 : i32
      %mul3A_447 = arith.constant 16 : i32
      %mul3A_448 = arith.muli %sub3A_446, %mul3A_447 : i32
      %add3A_449 = arith.addi %mul3A_2, %mul3A_448 : i32
      %dma_wait3A_450 = arith.constant 0 : i32
      %dma_wait3A_451 = tpu.memref_slice %arg4[%add3A_449, %dma_wait3A_450] : memref<32768x1024xf32, #tpu.memory_space<hbm>> -> memref<16x1024xf32, #tpu.memory_space<hbm>>
      %dma_wait3A_452 = arith.constant 0 : i32
      %dma_wait3A_453 = tpu.memref_slice %arg4[%add3A_449, %dma_wait3A_452] : memref<32768x1024xf32, #tpu.memory_space<hbm>> -> memref<16x1024xf32, #tpu.memory_space<hbm>>
      tpu.wait_dma2 semaphore(%arg23 : memref<!tpu.dma_semaphore, #tpu.memory_space<semaphore_mem>>) src(%arg11 : memref<16x1024xf32, #tpu.memory_space<vmem>>) dst(%dma_wait3A_453 : memref<16x1024xf32, #tpu.memory_space<hbm>>)
      %add3A_454 = arith.constant 4 : i32
      %add3A_455 = arith.addi %add3A_431, %add3A_454 : i32
      %dma_start3A_456 = arith.constant 0 : i32
      %dma_start3A_457 = tpu.memref_slice %arg5[%add3A_455, %dma_start3A_456] : memref<64x16xi32, #tpu.memory_space<vmem>> -> memref<1x16xi32, #tpu.memory_space<vmem>>
      %dma_start3A_458 = tpu.memref_squeeze %dma_start3A_457 : memref<1x16xi32, #tpu.memory_space<vmem>> -> memref<16xi32, #tpu.memory_space<vmem>>
      %dma_start3A_459 = arith.constant 0 : i32
      %dma_start3A_460 = arith.constant 0 : i32
      %dma_start3A_461 = tpu.memref_slice %arg2[%dma_start3A_459, %dma_start3A_460] : memref<8192x1024xf32, #tpu.memory_space<hbm>> -> memref<8192x1024xf32, #tpu.memory_space<hbm>>
      tpu.enqueue_indirect_dma source(%dma_start3A_461 : memref<8192x1024xf32, #tpu.memory_space<hbm>>) target(%arg11 : memref<16x1024xf32, #tpu.memory_space<vmem>>) offsets(%dma_start3A_458 : memref<16xi32, #tpu.memory_space<vmem>>) semaphore(%arg17 : memref<!tpu.dma_semaphore, #tpu.memory_space<semaphore_mem>>)
    }
    %scan3A_73 = arith.constant 9 : i32
    %dma_wait3A_74 = arith.constant 56 : i32
    %dma_wait3A_75 = arith.constant 0 : i32
    %dma_wait3A_76 = tpu.memref_slice %arg5[%dma_wait3A_74, %dma_wait3A_75] : memref<64x16xi32, #tpu.memory_space<vmem>> -> memref<1x16xi32, #tpu.memory_space<vmem>>
    %dma_wait3A_77 = tpu.memref_squeeze %dma_wait3A_76 : memref<1x16xi32, #tpu.memory_space<vmem>> -> memref<16xi32, #tpu.memory_space<vmem>>
    %dma_wait3A_78 = arith.constant 0 : i32
    %dma_wait3A_79 = arith.constant 0 : i32
    %dma_wait3A_80 = tpu.memref_slice %arg2[%dma_wait3A_78, %dma_wait3A_79] : memref<8192x1024xf32, #tpu.memory_space<hbm>> -> memref<8192x1024xf32, #tpu.memory_space<hbm>>
    tpu.wait_indirect_dma semaphore(%arg14 : memref<!tpu.dma_semaphore, #tpu.memory_space<semaphore_mem>>) src(%dma_wait3A_80 : memref<8192x1024xf32, #tpu.memory_space<hbm>>) dst(%arg8 : memref<16x1024xf32, #tpu.memory_space<vmem>>)
    %add3A_81 = arith.constant 896 : i32
    %add3A_82 = arith.addi %mul3A_2, %add3A_81 : i32
    %dma_start3A_83 = arith.constant 0 : i32
    %dma_start3A_84 = tpu.memref_slice %arg4[%add3A_82, %dma_start3A_83] : memref<32768x1024xf32, #tpu.memory_space<hbm>> -> memref<16x1024xf32, #tpu.memory_space<hbm>>
    %dma_start3A_85 = arith.constant 0 : i32
    %dma_start3A_86 = tpu.memref_slice %arg4[%add3A_82, %dma_start3A_85] : memref<32768x1024xf32, #tpu.memory_space<hbm>> -> memref<16x1024xf32, #tpu.memory_space<hbm>>
    tpu.enqueue_dma source(%arg8 : memref<16x1024xf32, #tpu.memory_space<vmem>>) target(%dma_start3A_86 : memref<16x1024xf32, #tpu.memory_space<hbm>>) target_semaphore(%arg20 : memref<!tpu.dma_semaphore, #tpu.memory_space<semaphore_mem>>)
    %add3A_87 = arith.constant 864 : i32
    %add3A_88 = arith.addi %mul3A_2, %add3A_87 : i32
    %dma_wait3A_89 = arith.constant 0 : i32
    %dma_wait3A_90 = tpu.memref_slice %arg4[%add3A_88, %dma_wait3A_89] : memref<32768x1024xf32, #tpu.memory_space<hbm>> -> memref<16x1024xf32, #tpu.memory_space<hbm>>
    %dma_wait3A_91 = arith.constant 0 : i32
    %dma_wait3A_92 = tpu.memref_slice %arg4[%add3A_88, %dma_wait3A_91] : memref<32768x1024xf32, #tpu.memory_space<hbm>> -> memref<16x1024xf32, #tpu.memory_space<hbm>>
    tpu.wait_dma2 semaphore(%arg18 : memref<!tpu.dma_semaphore, #tpu.memory_space<semaphore_mem>>) src(%arg6 : memref<16x1024xf32, #tpu.memory_space<vmem>>) dst(%dma_wait3A_92 : memref<16x1024xf32, #tpu.memory_space<hbm>>)
    %dma_start3A_93 = arith.constant 60 : i32
    %dma_start3A_94 = arith.constant 0 : i32
    %dma_start3A_95 = tpu.memref_slice %arg5[%dma_start3A_93, %dma_start3A_94] : memref<64x16xi32, #tpu.memory_space<vmem>> -> memref<1x16xi32, #tpu.memory_space<vmem>>
    %dma_start3A_96 = tpu.memref_squeeze %dma_start3A_95 : memref<1x16xi32, #tpu.memory_space<vmem>> -> memref<16xi32, #tpu.memory_space<vmem>>
    %dma_start3A_97 = arith.constant 0 : i32
    %dma_start3A_98 = arith.constant 0 : i32
    %dma_start3A_99 = tpu.memref_slice %arg2[%dma_start3A_97, %dma_start3A_98] : memref<8192x1024xf32, #tpu.memory_space<hbm>> -> memref<8192x1024xf32, #tpu.memory_space<hbm>>
    tpu.enqueue_indirect_dma source(%dma_start3A_99 : memref<8192x1024xf32, #tpu.memory_space<hbm>>) target(%arg6 : memref<16x1024xf32, #tpu.memory_space<vmem>>) offsets(%dma_start3A_96 : memref<16xi32, #tpu.memory_space<vmem>>) semaphore(%arg12 : memref<!tpu.dma_semaphore, #tpu.memory_space<semaphore_mem>>)
    %dma_wait3A_100 = arith.constant 57 : i32
    %dma_wait3A_101 = arith.constant 0 : i32
    %dma_wait3A_102 = tpu.memref_slice %arg5[%dma_wait3A_100, %dma_wait3A_101] : memref<64x16xi32, #tpu.memory_space<vmem>> -> memref<1x16xi32, #tpu.memory_space<vmem>>
    %dma_wait3A_103 = tpu.memref_squeeze %dma_wait3A_102 : memref<1x16xi32, #tpu.memory_space<vmem>> -> memref<16xi32, #tpu.memory_space<vmem>>
    %dma_wait3A_104 = arith.constant 0 : i32
    %dma_wait3A_105 = arith.constant 0 : i32
    %dma_wait3A_106 = tpu.memref_slice %arg2[%dma_wait3A_104, %dma_wait3A_105] : memref<8192x1024xf32, #tpu.memory_space<hbm>> -> memref<8192x1024xf32, #tpu.memory_space<hbm>>
    tpu.wait_indirect_dma semaphore(%arg15 : memref<!tpu.dma_semaphore, #tpu.memory_space<semaphore_mem>>) src(%dma_wait3A_106 : memref<8192x1024xf32, #tpu.memory_space<hbm>>) dst(%arg9 : memref<16x1024xf32, #tpu.memory_space<vmem>>)
    %add3A_107 = arith.constant 912 : i32
    %add3A_108 = arith.addi %mul3A_2, %add3A_107 : i32
    %dma_start3A_109 = arith.constant 0 : i32
    %dma_start3A_110 = tpu.memref_slice %arg4[%add3A_108, %dma_start3A_109] : memref<32768x1024xf32, #tpu.memory_space<hbm>> -> memref<16x1024xf32, #tpu.memory_space<hbm>>
    %dma_start3A_111 = arith.constant 0 : i32
    %dma_start3A_112 = tpu.memref_slice %arg4[%add3A_108, %dma_start3A_111] : memref<32768x1024xf32, #tpu.memory_space<hbm>> -> memref<16x1024xf32, #tpu.memory_space<hbm>>
    tpu.enqueue_dma source(%arg9 : memref<16x1024xf32, #tpu.memory_space<vmem>>) target(%dma_start3A_112 : memref<16x1024xf32, #tpu.memory_space<hbm>>) target_semaphore(%arg21 : memref<!tpu.dma_semaphore, #tpu.memory_space<semaphore_mem>>)
    %add3A_113 = arith.constant 880 : i32
    %add3A_114 = arith.addi %mul3A_2, %add3A_113 : i32
    %dma_wait3A_115 = arith.constant 0 : i32
    %dma_wait3A_116 = tpu.memref_slice %arg4[%add3A_114, %dma_wait3A_115] : memref<32768x1024xf32, #tpu.memory_space<hbm>> -> memref<16x1024xf32, #tpu.memory_space<hbm>>
    %dma_wait3A_117 = arith.constant 0 : i32
    %dma_wait3A_118 = tpu.memref_slice %arg4[%add3A_114, %dma_wait3A_117] : memref<32768x1024xf32, #tpu.memory_space<hbm>> -> memref<16x1024xf32, #tpu.memory_space<hbm>>
    tpu.wait_dma2 semaphore(%arg19 : memref<!tpu.dma_semaphore, #tpu.memory_space<semaphore_mem>>) src(%arg7 : memref<16x1024xf32, #tpu.memory_space<vmem>>) dst(%dma_wait3A_118 : memref<16x1024xf32, #tpu.memory_space<hbm>>)
    %dma_start3A_119 = arith.constant 61 : i32
    %dma_start3A_120 = arith.constant 0 : i32
    %dma_start3A_121 = tpu.memref_slice %arg5[%dma_start3A_119, %dma_start3A_120] : memref<64x16xi32, #tpu.memory_space<vmem>> -> memref<1x16xi32, #tpu.memory_space<vmem>>
    %dma_start3A_122 = tpu.memref_squeeze %dma_start3A_121 : memref<1x16xi32, #tpu.memory_space<vmem>> -> memref<16xi32, #tpu.memory_space<vmem>>
    %dma_start3A_123 = arith.constant 0 : i32
    %dma_start3A_124 = arith.constant 0 : i32
    %dma_start3A_125 = tpu.memref_slice %arg2[%dma_start3A_123, %dma_start3A_124] : memref<8192x1024xf32, #tpu.memory_space<hbm>> -> memref<8192x1024xf32, #tpu.memory_space<hbm>>
    tpu.enqueue_indirect_dma source(%dma_start3A_125 : memref<8192x1024xf32, #tpu.memory_space<hbm>>) target(%arg7 : memref<16x1024xf32, #tpu.memory_space<vmem>>) offsets(%dma_start3A_122 : memref<16xi32, #tpu.memory_space<vmem>>) semaphore(%arg13 : memref<!tpu.dma_semaphore, #tpu.memory_space<semaphore_mem>>)
    %dma_wait3A_126 = arith.constant 58 : i32
    %dma_wait3A_127 = arith.constant 0 : i32
    %dma_wait3A_128 = tpu.memref_slice %arg5[%dma_wait3A_126, %dma_wait3A_127] : memref<64x16xi32, #tpu.memory_space<vmem>> -> memref<1x16xi32, #tpu.memory_space<vmem>>
    %dma_wait3A_129 = tpu.memref_squeeze %dma_wait3A_128 : memref<1x16xi32, #tpu.memory_space<vmem>> -> memref<16xi32, #tpu.memory_space<vmem>>
    %dma_wait3A_130 = arith.constant 0 : i32
    %dma_wait3A_131 = arith.constant 0 : i32
    %dma_wait3A_132 = tpu.memref_slice %arg2[%dma_wait3A_130, %dma_wait3A_131] : memref<8192x1024xf32, #tpu.memory_space<hbm>> -> memref<8192x1024xf32, #tpu.memory_space<hbm>>
    tpu.wait_indirect_dma semaphore(%arg16 : memref<!tpu.dma_semaphore, #tpu.memory_space<semaphore_mem>>) src(%dma_wait3A_132 : memref<8192x1024xf32, #tpu.memory_space<hbm>>) dst(%arg10 : memref<16x1024xf32, #tpu.memory_space<vmem>>)
    %add3A_133 = arith.constant 928 : i32
    %add3A_134 = arith.addi %mul3A_2, %add3A_133 : i32
    %dma_start3A_135 = arith.constant 0 : i32
    %dma_start3A_136 = tpu.memref_slice %arg4[%add3A_134, %dma_start3A_135] : memref<32768x1024xf32, #tpu.memory_space<hbm>> -> memref<16x1024xf32, #tpu.memory_space<hbm>>
    %dma_start3A_137 = arith.constant 0 : i32
    %dma_start3A_138 = tpu.memref_slice %arg4[%add3A_134, %dma_start3A_137] : memref<32768x1024xf32, #tpu.memory_space<hbm>> -> memref<16x1024xf32, #tpu.memory_space<hbm>>
    tpu.enqueue_dma source(%arg10 : memref<16x1024xf32, #tpu.memory_space<vmem>>) target(%dma_start3A_138 : memref<16x1024xf32, #tpu.memory_space<hbm>>) target_semaphore(%arg22 : memref<!tpu.dma_semaphore, #tpu.memory_space<semaphore_mem>>)
    %add3A_139 = arith.constant 896 : i32
    %add3A_140 = arith.addi %mul3A_2, %add3A_139 : i32
    %dma_wait3A_141 = arith.constant 0 : i32
    %dma_wait3A_142 = tpu.memref_slice %arg4[%add3A_140, %dma_wait3A_141] : memref<32768x1024xf32, #tpu.memory_space<hbm>> -> memref<16x1024xf32, #tpu.memory_space<hbm>>
    %dma_wait3A_143 = arith.constant 0 : i32
    %dma_wait3A_144 = tpu.memref_slice %arg4[%add3A_140, %dma_wait3A_143] : memref<32768x1024xf32, #tpu.memory_space<hbm>> -> memref<16x1024xf32, #tpu.memory_space<hbm>>
    tpu.wait_dma2 semaphore(%arg20 : memref<!tpu.dma_semaphore, #tpu.memory_space<semaphore_mem>>) src(%arg8 : memref<16x1024xf32, #tpu.memory_space<vmem>>) dst(%dma_wait3A_144 : memref<16x1024xf32, #tpu.memory_space<hbm>>)
    %dma_start3A_145 = arith.constant 62 : i32
    %dma_start3A_146 = arith.constant 0 : i32
    %dma_start3A_147 = tpu.memref_slice %arg5[%dma_start3A_145, %dma_start3A_146] : memref<64x16xi32, #tpu.memory_space<vmem>> -> memref<1x16xi32, #tpu.memory_space<vmem>>
    %dma_start3A_148 = tpu.memref_squeeze %dma_start3A_147 : memref<1x16xi32, #tpu.memory_space<vmem>> -> memref<16xi32, #tpu.memory_space<vmem>>
    %dma_start3A_149 = arith.constant 0 : i32
    %dma_start3A_150 = arith.constant 0 : i32
    %dma_start3A_151 = tpu.memref_slice %arg2[%dma_start3A_149, %dma_start3A_150] : memref<8192x1024xf32, #tpu.memory_space<hbm>> -> memref<8192x1024xf32, #tpu.memory_space<hbm>>
    tpu.enqueue_indirect_dma source(%dma_start3A_151 : memref<8192x1024xf32, #tpu.memory_space<hbm>>) target(%arg8 : memref<16x1024xf32, #tpu.memory_space<vmem>>) offsets(%dma_start3A_148 : memref<16xi32, #tpu.memory_space<vmem>>) semaphore(%arg14 : memref<!tpu.dma_semaphore, #tpu.memory_space<semaphore_mem>>)
    %dma_wait3A_152 = arith.constant 59 : i32
    %dma_wait3A_153 = arith.constant 0 : i32
    %dma_wait3A_154 = tpu.memref_slice %arg5[%dma_wait3A_152, %dma_wait3A_153] : memref<64x16xi32, #tpu.memory_space<vmem>> -> memref<1x16xi32, #tpu.memory_space<vmem>>
    %dma_wait3A_155 = tpu.memref_squeeze %dma_wait3A_154 : memref<1x16xi32, #tpu.memory_space<vmem>> -> memref<16xi32, #tpu.memory_space<vmem>>
    %dma_wait3A_156 = arith.constant 0 : i32
    %dma_wait3A_157 = arith.constant 0 : i32
    %dma_wait3A_158 = tpu.memref_slice %arg2[%dma_wait3A_156, %dma_wait3A_157] : memref<8192x1024xf32, #tpu.memory_space<hbm>> -> memref<8192x1024xf32, #tpu.memory_space<hbm>>
    tpu.wait_indirect_dma semaphore(%arg17 : memref<!tpu.dma_semaphore, #tpu.memory_space<semaphore_mem>>) src(%dma_wait3A_158 : memref<8192x1024xf32, #tpu.memory_space<hbm>>) dst(%arg11 : memref<16x1024xf32, #tpu.memory_space<vmem>>)
    %add3A_159 = arith.constant 944 : i32
    %add3A_160 = arith.addi %mul3A_2, %add3A_159 : i32
    %dma_start3A_161 = arith.constant 0 : i32
    %dma_start3A_162 = tpu.memref_slice %arg4[%add3A_160, %dma_start3A_161] : memref<32768x1024xf32, #tpu.memory_space<hbm>> -> memref<16x1024xf32, #tpu.memory_space<hbm>>
    %dma_start3A_163 = arith.constant 0 : i32
    %dma_start3A_164 = tpu.memref_slice %arg4[%add3A_160, %dma_start3A_163] : memref<32768x1024xf32, #tpu.memory_space<hbm>> -> memref<16x1024xf32, #tpu.memory_space<hbm>>
    tpu.enqueue_dma source(%arg11 : memref<16x1024xf32, #tpu.memory_space<vmem>>) target(%dma_start3A_164 : memref<16x1024xf32, #tpu.memory_space<hbm>>) target_semaphore(%arg23 : memref<!tpu.dma_semaphore, #tpu.memory_space<semaphore_mem>>)
    %add3A_165 = arith.constant 912 : i32
    %add3A_166 = arith.addi %mul3A_2, %add3A_165 : i32
    %dma_wait3A_167 = arith.constant 0 : i32
    %dma_wait3A_168 = tpu.memref_slice %arg4[%add3A_166, %dma_wait3A_167] : memref<32768x1024xf32, #tpu.memory_space<hbm>> -> memref<16x1024xf32, #tpu.memory_space<hbm>>
    %dma_wait3A_169 = arith.constant 0 : i32
    %dma_wait3A_170 = tpu.memref_slice %arg4[%add3A_166, %dma_wait3A_169] : memref<32768x1024xf32, #tpu.memory_space<hbm>> -> memref<16x1024xf32, #tpu.memory_space<hbm>>
    tpu.wait_dma2 semaphore(%arg21 : memref<!tpu.dma_semaphore, #tpu.memory_space<semaphore_mem>>) src(%arg9 : memref<16x1024xf32, #tpu.memory_space<vmem>>) dst(%dma_wait3A_170 : memref<16x1024xf32, #tpu.memory_space<hbm>>)
    %dma_start3A_171 = arith.constant 63 : i32
    %dma_start3A_172 = arith.constant 0 : i32
    %dma_start3A_173 = tpu.memref_slice %arg5[%dma_start3A_171, %dma_start3A_172] : memref<64x16xi32, #tpu.memory_space<vmem>> -> memref<1x16xi32, #tpu.memory_space<vmem>>
    %dma_start3A_174 = tpu.memref_squeeze %dma_start3A_173 : memref<1x16xi32, #tpu.memory_space<vmem>> -> memref<16xi32, #tpu.memory_space<vmem>>
    %dma_start3A_175 = arith.constant 0 : i32
    %dma_start3A_176 = arith.constant 0 : i32
    %dma_start3A_177 = tpu.memref_slice %arg2[%dma_start3A_175, %dma_start3A_176] : memref<8192x1024xf32, #tpu.memory_space<hbm>> -> memref<8192x1024xf32, #tpu.memory_space<hbm>>
    tpu.enqueue_indirect_dma source(%dma_start3A_177 : memref<8192x1024xf32, #tpu.memory_space<hbm>>) target(%arg9 : memref<16x1024xf32, #tpu.memory_space<vmem>>) offsets(%dma_start3A_174 : memref<16xi32, #tpu.memory_space<vmem>>) semaphore(%arg15 : memref<!tpu.dma_semaphore, #tpu.memory_space<semaphore_mem>>)
    %dma_wait3A_178 = arith.constant 60 : i32
    %dma_wait3A_179 = arith.constant 0 : i32
    %dma_wait3A_180 = tpu.memref_slice %arg5[%dma_wait3A_178, %dma_wait3A_179] : memref<64x16xi32, #tpu.memory_space<vmem>> -> memref<1x16xi32, #tpu.memory_space<vmem>>
    %dma_wait3A_181 = tpu.memref_squeeze %dma_wait3A_180 : memref<1x16xi32, #tpu.memory_space<vmem>> -> memref<16xi32, #tpu.memory_space<vmem>>
    %dma_wait3A_182 = arith.constant 0 : i32
    %dma_wait3A_183 = arith.constant 0 : i32
    %dma_wait3A_184 = tpu.memref_slice %arg2[%dma_wait3A_182, %dma_wait3A_183] : memref<8192x1024xf32, #tpu.memory_space<hbm>> -> memref<8192x1024xf32, #tpu.memory_space<hbm>>
    tpu.wait_indirect_dma semaphore(%arg12 : memref<!tpu.dma_semaphore, #tpu.memory_space<semaphore_mem>>) src(%dma_wait3A_184 : memref<8192x1024xf32, #tpu.memory_space<hbm>>) dst(%arg6 : memref<16x1024xf32, #tpu.memory_space<vmem>>)
    %add3A_185 = arith.constant 960 : i32
    %add3A_186 = arith.addi %mul3A_2, %add3A_185 : i32
    %dma_start3A_187 = arith.constant 0 : i32
    %dma_start3A_188 = tpu.memref_slice %arg4[%add3A_186, %dma_start3A_187] : memref<32768x1024xf32, #tpu.memory_space<hbm>> -> memref<16x1024xf32, #tpu.memory_space<hbm>>
    %dma_start3A_189 = arith.constant 0 : i32
    %dma_start3A_190 = tpu.memref_slice %arg4[%add3A_186, %dma_start3A_189] : memref<32768x1024xf32, #tpu.memory_space<hbm>> -> memref<16x1024xf32, #tpu.memory_space<hbm>>
    tpu.enqueue_dma source(%arg6 : memref<16x1024xf32, #tpu.memory_space<vmem>>) target(%dma_start3A_190 : memref<16x1024xf32, #tpu.memory_space<hbm>>) target_semaphore(%arg18 : memref<!tpu.dma_semaphore, #tpu.memory_space<semaphore_mem>>)
    %add3A_191 = arith.constant 928 : i32
    %add3A_192 = arith.addi %mul3A_2, %add3A_191 : i32
    %dma_wait3A_193 = arith.constant 0 : i32
    %dma_wait3A_194 = tpu.memref_slice %arg4[%add3A_192, %dma_wait3A_193] : memref<32768x1024xf32, #tpu.memory_space<hbm>> -> memref<16x1024xf32, #tpu.memory_space<hbm>>
    %dma_wait3A_195 = arith.constant 0 : i32
    %dma_wait3A_196 = tpu.memref_slice %arg4[%add3A_192, %dma_wait3A_195] : memref<32768x1024xf32, #tpu.memory_space<hbm>> -> memref<16x1024xf32, #tpu.memory_space<hbm>>
    tpu.wait_dma2 semaphore(%arg22 : memref<!tpu.dma_semaphore, #tpu.memory_space<semaphore_mem>>) src(%arg10 : memref<16x1024xf32, #tpu.memory_space<vmem>>) dst(%dma_wait3A_196 : memref<16x1024xf32, #tpu.memory_space<hbm>>)
    %dma_wait3A_197 = arith.constant 61 : i32
    %dma_wait3A_198 = arith.constant 0 : i32
    %dma_wait3A_199 = tpu.memref_slice %arg5[%dma_wait3A_197, %dma_wait3A_198] : memref<64x16xi32, #tpu.memory_space<vmem>> -> memref<1x16xi32, #tpu.memory_space<vmem>>
    %dma_wait3A_200 = tpu.memref_squeeze %dma_wait3A_199 : memref<1x16xi32, #tpu.memory_space<vmem>> -> memref<16xi32, #tpu.memory_space<vmem>>
    %dma_wait3A_201 = arith.constant 0 : i32
    %dma_wait3A_202 = arith.constant 0 : i32
    %dma_wait3A_203 = tpu.memref_slice %arg2[%dma_wait3A_201, %dma_wait3A_202] : memref<8192x1024xf32, #tpu.memory_space<hbm>> -> memref<8192x1024xf32, #tpu.memory_space<hbm>>
    tpu.wait_indirect_dma semaphore(%arg13 : memref<!tpu.dma_semaphore, #tpu.memory_space<semaphore_mem>>) src(%dma_wait3A_203 : memref<8192x1024xf32, #tpu.memory_space<hbm>>) dst(%arg7 : memref<16x1024xf32, #tpu.memory_space<vmem>>)
    %add3A_204 = arith.constant 976 : i32
    %add3A_205 = arith.addi %mul3A_2, %add3A_204 : i32
    %dma_start3A_206 = arith.constant 0 : i32
    %dma_start3A_207 = tpu.memref_slice %arg4[%add3A_205, %dma_start3A_206] : memref<32768x1024xf32, #tpu.memory_space<hbm>> -> memref<16x1024xf32, #tpu.memory_space<hbm>>
    %dma_start3A_208 = arith.constant 0 : i32
    %dma_start3A_209 = tpu.memref_slice %arg4[%add3A_205, %dma_start3A_208] : memref<32768x1024xf32, #tpu.memory_space<hbm>> -> memref<16x1024xf32, #tpu.memory_space<hbm>>
    tpu.enqueue_dma source(%arg7 : memref<16x1024xf32, #tpu.memory_space<vmem>>) target(%dma_start3A_209 : memref<16x1024xf32, #tpu.memory_space<hbm>>) target_semaphore(%arg19 : memref<!tpu.dma_semaphore, #tpu.memory_space<semaphore_mem>>)
    %add3A_210 = arith.constant 944 : i32
    %add3A_211 = arith.addi %mul3A_2, %add3A_210 : i32
    %dma_wait3A_212 = arith.constant 0 : i32
    %dma_wait3A_213 = tpu.memref_slice %arg4[%add3A_211, %dma_wait3A_212] : memref<32768x1024xf32, #tpu.memory_space<hbm>> -> memref<16x1024xf32, #tpu.memory_space<hbm>>
    %dma_wait3A_214 = arith.constant 0 : i32
    %dma_wait3A_215 = tpu.memref_slice %arg4[%add3A_211, %dma_wait3A_214] : memref<32768x1024xf32, #tpu.memory_space<hbm>> -> memref<16x1024xf32, #tpu.memory_space<hbm>>
    tpu.wait_dma2 semaphore(%arg23 : memref<!tpu.dma_semaphore, #tpu.memory_space<semaphore_mem>>) src(%arg11 : memref<16x1024xf32, #tpu.memory_space<vmem>>) dst(%dma_wait3A_215 : memref<16x1024xf32, #tpu.memory_space<hbm>>)
    %dma_wait3A_216 = arith.constant 62 : i32
    %dma_wait3A_217 = arith.constant 0 : i32
    %dma_wait3A_218 = tpu.memref_slice %arg5[%dma_wait3A_216, %dma_wait3A_217] : memref<64x16xi32, #tpu.memory_space<vmem>> -> memref<1x16xi32, #tpu.memory_space<vmem>>
    %dma_wait3A_219 = tpu.memref_squeeze %dma_wait3A_218 : memref<1x16xi32, #tpu.memory_space<vmem>> -> memref<16xi32, #tpu.memory_space<vmem>>
    %dma_wait3A_220 = arith.constant 0 : i32
    %dma_wait3A_221 = arith.constant 0 : i32
    %dma_wait3A_222 = tpu.memref_slice %arg2[%dma_wait3A_220, %dma_wait3A_221] : memref<8192x1024xf32, #tpu.memory_space<hbm>> -> memref<8192x1024xf32, #tpu.memory_space<hbm>>
    tpu.wait_indirect_dma semaphore(%arg14 : memref<!tpu.dma_semaphore, #tpu.memory_space<semaphore_mem>>) src(%dma_wait3A_222 : memref<8192x1024xf32, #tpu.memory_space<hbm>>) dst(%arg8 : memref<16x1024xf32, #tpu.memory_space<vmem>>)
    %add3A_223 = arith.constant 992 : i32
    %add3A_224 = arith.addi %mul3A_2, %add3A_223 : i32
    %dma_start3A_225 = arith.constant 0 : i32
    %dma_start3A_226 = tpu.memref_slice %arg4[%add3A_224, %dma_start3A_225] : memref<32768x1024xf32, #tpu.memory_space<hbm>> -> memref<16x1024xf32, #tpu.memory_space<hbm>>
    %dma_start3A_227 = arith.constant 0 : i32
    %dma_start3A_228 = tpu.memref_slice %arg4[%add3A_224, %dma_start3A_227] : memref<32768x1024xf32, #tpu.memory_space<hbm>> -> memref<16x1024xf32, #tpu.memory_space<hbm>>
    tpu.enqueue_dma source(%arg8 : memref<16x1024xf32, #tpu.memory_space<vmem>>) target(%dma_start3A_228 : memref<16x1024xf32, #tpu.memory_space<hbm>>) target_semaphore(%arg20 : memref<!tpu.dma_semaphore, #tpu.memory_space<semaphore_mem>>)
    %add3A_229 = arith.constant 960 : i32
    %add3A_230 = arith.addi %mul3A_2, %add3A_229 : i32
    %dma_wait3A_231 = arith.constant 0 : i32
    %dma_wait3A_232 = tpu.memref_slice %arg4[%add3A_230, %dma_wait3A_231] : memref<32768x1024xf32, #tpu.memory_space<hbm>> -> memref<16x1024xf32, #tpu.memory_space<hbm>>
    %dma_wait3A_233 = arith.constant 0 : i32
    %dma_wait3A_234 = tpu.memref_slice %arg4[%add3A_230, %dma_wait3A_233] : memref<32768x1024xf32, #tpu.memory_space<hbm>> -> memref<16x1024xf32, #tpu.memory_space<hbm>>
    tpu.wait_dma2 semaphore(%arg18 : memref<!tpu.dma_semaphore, #tpu.memory_space<semaphore_mem>>) src(%arg6 : memref<16x1024xf32, #tpu.memory_space<vmem>>) dst(%dma_wait3A_234 : memref<16x1024xf32, #tpu.memory_space<hbm>>)
    %dma_wait3A_235 = arith.constant 63 : i32
    %dma_wait3A_236 = arith.constant 0 : i32
    %dma_wait3A_237 = tpu.memref_slice %arg5[%dma_wait3A_235, %dma_wait3A_236] : memref<64x16xi32, #tpu.memory_space<vmem>> -> memref<1x16xi32, #tpu.memory_space<vmem>>
    %dma_wait3A_238 = tpu.memref_squeeze %dma_wait3A_237 : memref<1x16xi32, #tpu.memory_space<vmem>> -> memref<16xi32, #tpu.memory_space<vmem>>
    %dma_wait3A_239 = arith.constant 0 : i32
    %dma_wait3A_240 = arith.constant 0 : i32
    %dma_wait3A_241 = tpu.memref_slice %arg2[%dma_wait3A_239, %dma_wait3A_240] : memref<8192x1024xf32, #tpu.memory_space<hbm>> -> memref<8192x1024xf32, #tpu.memory_space<hbm>>
    tpu.wait_indirect_dma semaphore(%arg15 : memref<!tpu.dma_semaphore, #tpu.memory_space<semaphore_mem>>) src(%dma_wait3A_241 : memref<8192x1024xf32, #tpu.memory_space<hbm>>) dst(%arg9 : memref<16x1024xf32, #tpu.memory_space<vmem>>)
    %add3A_242 = arith.constant 1008 : i32
    %add3A_243 = arith.addi %mul3A_2, %add3A_242 : i32
    %dma_start3A_244 = arith.constant 0 : i32
    %dma_start3A_245 = tpu.memref_slice %arg4[%add3A_243, %dma_start3A_244] : memref<32768x1024xf32, #tpu.memory_space<hbm>> -> memref<16x1024xf32, #tpu.memory_space<hbm>>
    %dma_start3A_246 = arith.constant 0 : i32
    %dma_start3A_247 = tpu.memref_slice %arg4[%add3A_243, %dma_start3A_246] : memref<32768x1024xf32, #tpu.memory_space<hbm>> -> memref<16x1024xf32, #tpu.memory_space<hbm>>
    tpu.enqueue_dma source(%arg9 : memref<16x1024xf32, #tpu.memory_space<vmem>>) target(%dma_start3A_247 : memref<16x1024xf32, #tpu.memory_space<hbm>>) target_semaphore(%arg21 : memref<!tpu.dma_semaphore, #tpu.memory_space<semaphore_mem>>)
    %add3A_248 = arith.constant 976 : i32
    %add3A_249 = arith.addi %mul3A_2, %add3A_248 : i32
    %dma_wait3A_250 = arith.constant 0 : i32
    %dma_wait3A_251 = tpu.memref_slice %arg4[%add3A_249, %dma_wait3A_250] : memref<32768x1024xf32, #tpu.memory_space<hbm>> -> memref<16x1024xf32, #tpu.memory_space<hbm>>
    %dma_wait3A_252 = arith.constant 0 : i32
    %dma_wait3A_253 = tpu.memref_slice %arg4[%add3A_249, %dma_wait3A_252] : memref<32768x1024xf32, #tpu.memory_space<hbm>> -> memref<16x1024xf32, #tpu.memory_space<hbm>>
    tpu.wait_dma2 semaphore(%arg19 : memref<!tpu.dma_semaphore, #tpu.memory_space<semaphore_mem>>) src(%arg7 : memref<16x1024xf32, #tpu.memory_space<vmem>>) dst(%dma_wait3A_253 : memref<16x1024xf32, #tpu.memory_space<hbm>>)
    %add3A_254 = arith.constant 992 : i32
    %add3A_255 = arith.addi %mul3A_2, %add3A_254 : i32
    %dma_wait3A_256 = arith.constant 0 : i32
    %dma_wait3A_257 = tpu.memref_slice %arg4[%add3A_255, %dma_wait3A_256] : memref<32768x1024xf32, #tpu.memory_space<hbm>> -> memref<16x1024xf32, #tpu.memory_space<hbm>>
    %dma_wait3A_258 = arith.constant 0 : i32
    %dma_wait3A_259 = tpu.memref_slice %arg4[%add3A_255, %dma_wait3A_258] : memref<32768x1024xf32, #tpu.memory_space<hbm>> -> memref<16x1024xf32, #tpu.memory_space<hbm>>
    tpu.wait_dma2 semaphore(%arg20 : memref<!tpu.dma_semaphore, #tpu.memory_space<semaphore_mem>>) src(%arg8 : memref<16x1024xf32, #tpu.memory_space<vmem>>) dst(%dma_wait3A_259 : memref<16x1024xf32, #tpu.memory_space<hbm>>)
    %add3A_260 = arith.constant 1008 : i32
    %add3A_261 = arith.addi %mul3A_2, %add3A_260 : i32
    %dma_wait3A_262 = arith.constant 0 : i32
    %dma_wait3A_263 = tpu.memref_slice %arg4[%add3A_261, %dma_wait3A_262] : memref<32768x1024xf32, #tpu.memory_space<hbm>> -> memref<16x1024xf32, #tpu.memory_space<hbm>>
    %dma_wait3A_264 = arith.constant 0 : i32
    %dma_wait3A_265 = tpu.memref_slice %arg4[%add3A_261, %dma_wait3A_264] : memref<32768x1024xf32, #tpu.memory_space<hbm>> -> memref<16x1024xf32, #tpu.memory_space<hbm>>
    tpu.wait_dma2 semaphore(%arg21 : memref<!tpu.dma_semaphore, #tpu.memory_space<semaphore_mem>>) src(%arg9 : memref<16x1024xf32, #tpu.memory_space<vmem>>) dst(%dma_wait3A_265 : memref<16x1024xf32, #tpu.memory_space<hbm>>)
    return
  }
}

</mosaic_0001>

<sc_bundles>
// kernel: _gather_sc.3.cloned.1.call-start
scs
__scs_entry_jumppad:
0x0: {  	(pc) =	sbr.rel $0x88, $3  }
0x1: {  	(tag) =	ssettag $0x0;
	lr =	simm.s32 $0x1  }
0x2: {  	[smem:$0x3F9F] =	sst lr;
	_ =	strace $0xD0000000  }
0x3: {  	_ = 	snop  }
0x4: {  	_ = 	snop  }
0x5: {  	_ = 	snop  }
0x6: {  	_ = 	snop  }
0x7: {  	_ = 	snop  }
__scs_overlays_trampoline_lowered:
0x8: {  	[smem:$0x3FAE] =	sst s0  }
0x9: {  	[smem:$0x3FAF] =	sst s1  }
0xa: {  	[smem:$0x3FB0] =	sst s2  }
0xb: {  	[smem:$0x3FB1] =	sst s3  }
0xc: {  	[smem:$0x3FB2] =	sst s4  }
0xd: {  	[smem:$0x3FB3] =	sst s5  }
0xe: {  	[smem:$0x3FB4] =	sst s6  }
0xf: {  	[smem:$0x3FB5] =	sst s7  }
0x10: {  	[smem:$0x3FB6] =	sst s8  }
0x11: {  	[smem:$0x3FB7] =	sst s9;
	s0 =	simm.s32 @!p0 $0x0  }
0x12: {  	s1 =	sld [smem:$0x3F9D];
	s0 =	simm.s32 @p0 $0x1  }
0x13: {  	[smem:$0x3FB8] =	sst s0;
	s0 =	simm.s32 @!p1 $0x0  }
0x14: {  	s2 =	sld [smem:$0x3F9C];
	s0 =	simm.s32 @p1 $0x1  }
0x15: {  	[smem:$0x3FB9] =	sst s0;
	s0 =	simm.s32 @!p2 $0x0  }
0x16: {  	s3 =	sld [smem:$0x3FDB];
	s0 =	simm.s32 @p2 $0x1  }
0x17: {  	s4 =	simm.s32 $0x1BF5;
	[smem:$0x3FBB] =	sst s0  }
0x18: {  	s0 =	sld [smem:$0x3F9E];
	_ =	swait.ge [sflag:s4], $0x0  }
0x19: {  	s7 =	sld [smem:$0x3F9F]  }
0x1a: {  	s8 =	sadd.s32 $0xFFFFE003, lr  }
0x1b: {  	s9 =	sadd.s32 $0xFFFFFEF7, lr;
	s5 =	simm.s32 $0xFFFFFFFF;
	p2 =	slt.u32 s8, $0xFFFFF086  }
0x1c: {  	p1 =	slt.u32 s9, $0xF7A;
	s5 =	simm.s32 @!p2 $0x0  }
0x1d: {  	s5 =	simm.s32 @p1 $0x1;
	p0 =	seq.s32 s7, s2  }
0x1e: {  	s7 =	smul.u32 @!p0 $0xF7A, s2;
	p2 =	seq.s32 @!p0 s5, $0x0  }
0x1f: {  	s9 =	smul.u32 $0xF7A, s1;
	s8 =	simm.s32 @!p0 $0x1BF5;
	p2 =	por !p2, p0  }
0x20: {  	[sflag:s8] =	ssyncset.s32 @!p0 $0xFFFFF086;
	s6 =	sadd.s32 @!p0 s3, s7;
	s7 =	simm.s32 @!p0 $0x108  }
0x21: {  	s3 =	sadd.s32 s3, s9;
	s6 =	sadd.s32 @!p0 $0x88, s6;
	s7 =	simm.s32 @p2 $0x1082  }
0x22: {  	[simem:s7], [sflag:s8] =	dma.local @!p0 [hbm:s6], $0xF7A  }
0x23: {  	s9 =	sor.u32 $0xD0000000, s2;
	s6 =	simm.s32 $0x108;
	_ =	swait.ge @!p0 [sflag:s8], $0x0  }
0x24: {  	s3 =	sadd.s32 $0x88, s3;
	s6 =	simm.s32 @!p1 $0x1082;
	[sflag:s4] =	ssyncset.s32 $0xFFFFF086  }
0x25: {  	[simem:s6], [sflag:s4] =	dma.local [hbm:s3], $0xF7A  }
0x26: {  	[smem:$0x3F9F] =	sst s1;
	(tag) =	ssettag s2;
	_ =	strace s9  }
0x27: {  	s1 =	sld [smem:$0x3FAF]  }
0x28: {  	s2 =	sld [smem:$0x3FB0]  }
0x29: {  	s4 =	sld [smem:$0x3FB2]  }
0x2a: {  	p0 =	seq.s32 s5, $0x0;
	s5 =	sld [smem:$0x3FB3]  }
0x2b: {  	s6 =	sld [smem:$0x3FB4]  }
0x2c: {  	s7 =	sld [smem:$0x3FB5]  }
0x2d: {  	s3 =	simm.s32 $0x108;
	s8 =	sld [smem:$0x3FB6]  }
0x2e: {  	s3 =	simm.s32 @!p0 $0x1082;
	s9 =	sld [smem:$0x3FB7]  }
0x2f: {  	lr =	sadd.s32 s0, s3;
	s0 =	sld [smem:$0x3FAE]  }
0x30: {  	s3 =	sld [smem:$0x3FB1]  }
0x31: {  	[smem:$0x3FBA] =	sst s10  }
0x32: {  	s10 =	sld [smem:$0x3FB8];
	_ =	sdelay $0x3  }
0x33: {  	p0 =	seq.s32 s10, $0x1;
	s10 =	sld [smem:$0x3FBA];
	_ =	sdelay $0x3  }
0x34: {  	[smem:$0x3FBA] =	sst s10  }
0x35: {  	s10 =	sld [smem:$0x3FB9];
	_ =	sdelay $0x3  }
0x36: {  	p1 =	seq.s32 s10, $0x1;
	s10 =	sld [smem:$0x3FBA];
	_ =	sdelay $0x3  }
0x37: {  	[smem:$0x3FBA] =	sst s10  }
0x38: {  	s10 =	sld [smem:$0x3FBB]  }
0x39: {  	_ = 	snop;
	(pc) =	sbr.ind lr, $3  }
0x3a: {  	_ = 	snop  }
0x3b: {  	_ = 	snop  }
0x3c: {  	p2 =	seq.s32 s10, $0x1;
	s10 =	sld [smem:$0x3FBA]  }
0x3d: {  	_ =	shalt  }
0x3e: {  	_ =	shalt  }
0x3f: {  	_ =	shalt  }
0x40: {  	_ =	shalt  }
0x41: {  	_ =	shalt  }
0x42: {  	_ =	shalt  }
0x43: {  	_ =	shalt  }
0x44: {  	_ =	shalt  }
0x45: {  	_ =	shalt  }
0x46: {  	_ =	shalt  }
0x47: {  	_ =	shalt  }
0x48: {  	_ =	shalt  }
0x49: {  	_ =	shalt  }
0x4a: {  	_ =	shalt  }
0x4b: {  	_ =	shalt  }
0x4c: {  	_ =	shalt  }
0x4d: {  	_ =	shalt  }
0x4e: {  	_ =	shalt  }
0x4f: {  	_ =	shalt  }
0x50: {  	_ =	shalt  }
0x51: {  	_ =	shalt  }
0x52: {  	_ =	shalt  }
0x53: {  	_ =	shalt  }
0x54: {  	_ =	shalt  }
0x55: {  	_ =	shalt  }
0x56: {  	_ =	shalt  }
0x57: {  	_ =	shalt  }
0x58: {  	_ =	shalt  }
0x59: {  	_ =	shalt  }
0x5a: {  	_ =	shalt  }
0x5b: {  	_ =	shalt  }
0x5c: {  	_ =	shalt  }
0x5d: {  	_ =	shalt  }
0x5e: {  	_ =	shalt  }
0x5f: {  	_ =	shalt  }
0x60: {  	_ =	shalt  }
0x61: {  	_ =	shalt  }
0x62: {  	_ =	shalt  }
0x63: {  	_ =	shalt  }
0x64: {  	_ =	shalt  }
0x65: {  	_ =	shalt  }
0x66: {  	_ =	shalt  }
0x67: {  	_ =	shalt  }
0x68: {  	_ =	shalt  }
0x69: {  	_ =	shalt  }
0x6a: {  	_ =	shalt  }
0x6b: {  	_ =	shalt  }
0x6c: {  	_ =	shalt  }
0x6d: {  	_ =	shalt  }
0x6e: {  	_ =	shalt  }
0x6f: {  	_ =	shalt  }
0x70: {  	_ =	shalt  }
0x71: {  	_ =	shalt  }
0x72: {  	_ =	shalt  }
0x73: {  	_ =	shalt  }
0x74: {  	_ =	shalt  }
0x75: {  	_ =	shalt  }
0x76: {  	_ =	shalt  }
0x77: {  	_ =	shalt  }
0x78: {  	_ =	shalt  }
0x79: {  	_ =	shalt  }
0x7a: {  	_ =	shalt  }
0x7b: {  	_ =	shalt  }
0x7c: {  	_ =	shalt  }
0x7d: {  	_ =	shalt  }
0x7e: {  	_ =	shalt  }
0x7f: {  	_ =	shalt  }
0x80: {  	_ =	shalt  }
0x81: {  	_ =	shalt  }
0x82: {  	_ =	shalt  }
0x83: {  	_ =	shalt  }
0x84: {  	_ =	shalt  }
0x85: {  	_ =	shalt  }
0x86: {  	_ =	shalt  }
0x87: {  	_ =	shalt  }
.Lfunc_end0:
.L_simem_size_0:
called_computation_lowered:
.L_overlay_start_0:
0x88: {  	s2 =	sld [smem:$0x3FD9]  }
0x89: {  	s3 =	sld [smem:$0x3FFE];
	_ =	sdelay $0x1  }
0x8a: {  	s1 =	srdreg.scid  }
0x8b: {  	s0 =	sand.u32 $0x1, s1  }
0x8c: {  	s17 =	sshll.u32 s0, $0xA;
	s2 =	sadd.s32 s3, s2  }
0x8d: {  	s2 =	sadd.s32 s2, s17  }
0x8e: {  	[smem:$0x3FC6] =	sst s2  }
0x8f: {  	_ = 	snop  }
0x90: {  	s2 =	sld [smem:$0x3FC8]  }
0x91: {  	s18 =	sld [smem:$0x3FD0];
	(tm) =	ssettm $0x1  }
0x92: {  	s4 =	sld [smem:$0x3FFB];
	_ =	sdelay $0x3  }
0x93: {  	_ =	strace s4  }
0x94: {  	s4 =	sld [smem:$0x3FFC];
	_ =	sdelay $0x3  }
0x95: {  	_ =	strace s4  }
0x96: {  	s4 =	sld [smem:$0x3FFD];
	_ =	sdelay $0x3  }
0x97: {  	_ =	strace s4  }
0x98: {  	_ =	strace $0x8FFFFFFF  }
0x99: {  	s19 =	sld [smem:$0x3FDB];
	_ =	sdelay $0x1  }
0x9a: {  	s5 =	simm.s32 $_scs_section_size  }
0x9b: {  	s6 =	simm.s32 $_size__tile_overlayer_lowered;
	s7 =	simm.s32 $_tile_overlayer_lowered  }
0x9c: {  	s22 =	simm.s32 $0x1BFF;
	s21 =	sshll.u32 s7, $0x1;
	s4 =	sadd.s32 s5, s19  }
0x9d: {  	s8 =	simm.s32 $0x0;
	s20 =	sshll.u32 s6, $0x1;
	s6 =	sadd.s32 s21, s4  }
0x9e: {  	[timem:s8], [sflag:s22] =	dma.local [hbm:s6], s20  }
0x9f: {  	_ =	swait.ge [sflag:s22], s20  }
0xa0: {  	s5 =	ssub.s32 $0x0, s20;
	[sflag:s22] =	ssyncset.done $0x0  }
0xa1: {  	[sflag:s22] =	ssyncadd.s32 s5;
	_ =	sdelay $0x1  }
0xa2: {  	s23 =	simm.s32 $0x1B8B  }
0xa3: {  	_ =	swait.ge [sflag:s23], $0x1  }
0xa4: {  	[sflag:s23] =	ssyncset.done $0x0  }
0xa5: {  	s25 =	simm.s32 $0x1B8E;
	s24 =	sld [smem:$0x3FFE];
	[sflag:s23] =	ssyncadd.s32 $0xFFFFFFFF  }
0xa6: {  	s26 =	simm.s32 $execute0_lowered;
	[smem:$0x3FD2] =	sst s25  }
0xa7: {  	s6 =	sshll.u32 s26, $0x1;
	_ =	strace $0x80000046;
	[dreg:$0x1] =	wrdreg $0xFFFFFFFF  }
0xa8: {  	s28 =	simm.s32 $_size_execute0_lowered;
	s4 =	sadd.s32 s4, s6;
	[dreg:$0x0] =	wrdreg $0x0  }
0xa9: {  	s6 =	sshll.u32 s28, $0x1;
	[dreg:$0x2] =	wrdreg s4  }
0xaa: {  	[dreg:$0x3] =	wrdreg s6  }
0xab: {  	[dreg:$0x4] =	wrdreg $0xC0  }
0xac: {  	_ =	task [dreg:s8], $0x5FFFF  }
0xad: {  	[dreg:$0x1] =	wrdreg $0xFFFFFFFF  }
0xae: {  	[dreg:$0x0] =	wrdreg $0x60  }
0xaf: {  	[dreg:$0x2] =	wrdreg s2  }
0xb0: {  	[dreg:$0x3] =	wrdreg s24  }
0xb1: {  	[dreg:$0x4] =	wrdreg s18  }
0xb2: {  	[dreg:$0x5] =	wrdreg $0x9  }
0xb3: {  	_ =	task.clear_ibuf [dreg:s8], $0x6FFFF;
	_ =	strace $0x90000046  }
0xb4: {  	s29 =	simm.s32 $0x9;
	_ =	strace $0x80000048  }
0xb5: {  	_ =	swait.ge [sflag:s29], $0x1  }
0xb6: {  	[sflag:s29] =	ssyncadd.s32 $0xFFFFFFFF  }
0xb7: {  	_ =	strace $0x90000048  }
0xb8: {  	_ =	sfence  }
0xb9: {  	s30 =	sld [smem:$0x0];
	_ =	sdelay $0x2  }
0xba: {  	s31 =	sshll.u32 s1, $0xD;
	s1 =	sshrl.u32 s1, $0x2  }
0xbb: {  	s3 =	sand.u32 $0x4000, s31;
	s1 =	sadd.s32 s1, s30  }
0xbc: {  	s0 =	sor.u32 s3, s0;
	s1 =	sshll.u32 s1, $0x11  }
0xbd: {  	s0 =	sor.u32 s1, s0  }
0xbe: {  	s0 =	sadd.s32 $0x8F2B, s0  }
0xbf: {  	[sflag:s0] =	ssyncadd.remote.s32 $0x1  }
0xc0: {  	_ =	sfence.sel $0xFFFF  }
0xc1: {  	[dreg:$0x0] =	wrdreg $0xFFFFFFFF;
	(pc) =	sbr.abs _section_cstart, $3  }
0xc2: {  	[dreg:$0x1] =	wrdreg $0xFFFFFFFF  }
0xc3: {  	_ =	task.clear_ibuf [dreg:s8], $0x2FFFF;
	_ =	strace $0x9FFFFFFF  }
0xc4: {  	(tm) =	ssettm $0x7FFFFFFF  }
0xc5: {  	_ =	shalt  }
tec
execute0_lowered:
.L_overlay_start_1:
0x0: {  	(tag) =	ssettag $0x1  }
0x1: {  	s1 =	rddreg [dreg:$0x0]  }
0x2: {  	s0 =	rddreg [dreg:$0x1]  }
0x3: {  	s2 =	srdreg.scid;
	s9 =	stileid.u32  }
0x4: {  	s4 =	rddreg [dreg:$0x2];
	s3 =	simm.s32 $0x0;
	s28 =	simm.s32 $0x1  }
0x5: {  	s29 =	simm.s32 $0x12000;
	s14 =	simm.s32 $0x15000;
	s30 =	simm.s32 $0x15800  }
0x6: {  	s13 =	simm.s32 $0x2;
	s12 =	simm.s32 $0x9;
	s31 =	simm.s32 $0xC  }
0x7: {  	s11 =	simm.s32 $0x0;
	s2 =	sand.u32 $0x1, s2;
	s5 =	sshll.u32 s9, $0x1  }
0x8: {  	[smem:$0x7FF] =	sst s3;
	s8 =	sadd.s32 $0x300, s1;
	s5 =	sor.u32 s2, s5  }
0x9: {  	s23 =	sshll.u32 s9, $0x12;
	s6 =	sshll.u32 s5, $0xA;
	s16 =	sshll.u32 s5, $0x11  }
0xa: {  	s9 =	simm.s32 $0x7;
	s0 =	sadd.s32 s6, s0;
	s10 =	sadd.s32 s4, s16  }
0xb: {  	_ =	strace $0x80000047;
	s0 =	sadd.s32 $0x400, s0;
	[dreg:$0x6] =	wrdreg s10  }
0xc: {  	s7 =	ssub.s32 $0x2, s2;
	s17 =	sadd.s32 $0x1C000, s10;
	[dreg:$0x5] =	wrdreg s0  }
0xd: {  	s2 =	sshll.u32 s2, $0x11;
	s18 =	sadd.s32 $0x1C800, s10;
	[dreg:$0x8] =	wrdreg s17  }
0xe: {  	s15 =	sshrl.u32 s7, $0x1;
	s19 =	sadd.s32 $0x1D000, s10;
	[dreg:$0x9] =	wrdreg s18  }
0xf: {  	s5 =	sadd.s32 $0x100, s1;
	s20 =	sadd.s32 $0x1D800, s10;
	[dreg:$0xa] =	wrdreg s19  }
0x10: {  	s7 =	ssub.s32 s7, s15;
	s21 =	sadd.s32 $0x1E000, s10;
	[dreg:$0xb] =	wrdreg s20  }
0x11: {  	s6 =	sadd.s32 $0x200, s1;
	s22 =	sadd.s32 $0x1E800, s10;
	[dreg:$0xc] =	wrdreg s21  }
0x12: {  	s15 =	simm.s32 $0x12800;
	s24 =	sadd.s32 $0x1F000, s10;
	[dreg:$0xd] =	wrdreg s22  }
0x13: {  	s16 =	simm.s32 $0x13800;
	s25 =	sadd.s32 $0x1F800, s10;
	[dreg:$0xe] =	wrdreg s24  }
0x14: {  	s26 =	smax.u32 s7, $0x1;
	s7 =	simm.s32 $0xE000;
	[dreg:$0xf] =	wrdreg s25  }
0x15: {  	s0 =	sadd.s32 $0x800, s10;
	[dreg:$0x10] =	wrdreg s26;
	s25 =	simm.s32 $0xA000  }
0x16: {  	s17 =	simm.s32 $0x14800;
	s26 =	simm.s32 $0x16000;
	s18 =	simm.s32 $0x3  }
0x17: {  	s10 =	simm.s32 $0x4;
	s19 =	simm.s32 $0x8;
	s21 =	simm.s32 $0x5  }
0x18: {  	v2 =	vlaneseq.u32;
	s22 =	simm.s32 $0x6;
	[dreg:$0x7] =	wrdreg s0;
	s0 =	sadd.s32 s23, s4  }
0x19: {  	vm0 =	vmmov $0xffff;
	v1 =	vshrl.u32 v2, $0x3;
	s24 =	simm.s32 $0xB;
	s4 =	simm.s32 $0x14000;
	s0 =	sadd.s32 s2, s0  }
0x1a: {  	v0 =	vand.u32 $0x7, v2;
	v2 =	vor.u32 $0x8, v2;
	v1 =	vmul.u32 $0x8, v1;
	s23 =	simm.s32 $0xA;
	[dreg:$0x4] =	wrdreg s0;
	s0 =	simm.s32 $0x13000  }
.LBB2_1:
0x1b: {  	[dreg:$0x11] =	wrdreg s11  }
0x1c: {  	s2 =	rddreg [dreg:$0x5];
	s20 =	simm.s32 $0xD  }
0x1d: {  	[tilespmem:s3], [sflag:$0xD] =	stream.linear.gather [hbm4b:s2+s3], $0x2000, $0x38;
	[tilespmem:$0x1A000] =	vst v63  }
0x1e: {  	_ =	swait.ge [sflag:s20], $0x2000  }
0x1f: {  	[sflag:s20] =	ssyncset.done $0x0  }
0x20: {  	[sflag:s20] =	ssyncadd.s32 $0xFFFFE000  }
0x21: {  	v3 =	vld [tilespmem:$0x0];
	_ =	sdelay $0x4  }
0x22: {  	v4 =	vshll.u32 v3, $0x3  }
0x23: {  	v3 =	vand.u32 $0x7, v3;
	v4 =	vand.u32 $0xFFFFFFC0, v4  }
0x24: {  	v3 =	vor.u32 v3, v4  }
0x25: {  	v4 =	vperm.xlane v3, v0;
	_ =	sdelay $0x1  }
0x26: {  	v4 =	vadd.s32 v1, v4;
	_ =	sdelay $0x3  }
0x27: {  	s20 =	simm.s32 $0x2000  }
0x28: {  	[tilespmem:s20], [sflag:$0x1] =	stream.indirect_vreg.gather [hbm4b:s1+s3], $0x80, v4, vm0, $0xb8;
	[tilespmem:$0x1A000] =	vst v63  }
0x29: {  	s11 =	simm.s32 $0x2800;
	v3 =	vperm.xlane v3, v2  }
0x2a: {  	[tilespmem:s11], [sflag:$0x1] =	stream.indirect_vreg.gather [hbm4b:s5+s3], $0x80, v4, vm0, $0xb8;
	[tilespmem:$0x1A000] =	vst v63  }
0x2b: {  	v3 =	vadd.s32 v1, v3;
	s11 =	simm.s32 $0x3000  }
0x2c: {  	[tilespmem:s11], [sflag:$0x1] =	stream.indirect_vreg.gather [hbm4b:s6+s3], $0x80, v4, vm0, $0xb8;
	[tilespmem:$0x1A000] =	vst v63  }
0x2d: {  	s11 =	simm.s32 $0x3800  }
0x2e: {  	[tilespmem:s11], [sflag:$0x1] =	stream.indirect_vreg.gather [hbm4b:s8+s3], $0x80, v4, vm0, $0xb8;
	[tilespmem:$0x1A000] =	vst v63  }
0x2f: {  	s11 =	simm.s32 $0x4000  }
0x30: {  	[tilespmem:s11], [sflag:$0x1] =	stream.indirect_vreg.gather [hbm4b:s1+s3], $0x80, v3, vm0, $0xb8;
	[tilespmem:$0x1A000] =	vst v63  }
0x31: {  	s11 =	simm.s32 $0x4800  }
0x32: {  	[tilespmem:s11], [sflag:$0x1] =	stream.indirect_vreg.gather [hbm4b:s5+s3], $0x80, v3, vm0, $0xb8;
	[tilespmem:$0x1A000] =	vst v63  }
0x33: {  	s11 =	simm.s32 $0x5000  }
0x34: {  	[tilespmem:s11], [sflag:$0x1] =	stream.indirect_vreg.gather [hbm4b:s6+s3], $0x80, v3, vm0, $0xb8;
	[tilespmem:$0x1A000] =	vst v63  }
0x35: {  	s11 =	simm.s32 $0x5800  }
0x36: {  	[tilespmem:s11], [sflag:$0x1] =	stream.indirect_vreg.gather [hbm4b:s8+s3], $0x80, v3, vm0, $0xb8;
	[tilespmem:$0x1A000] =	vst v63  }
0x37: {  	v3 =	vld [tilespmem:$0x80];
	_ =	sdelay $0x4  }
0x38: {  	v59 =	vshll.u32 v3, $0x3  }
0x39: {  	v3 =	vand.u32 $0x7, v3;
	v4 =	vand.u32 $0xFFFFFFC0, v59  }
0x3a: {  	v3 =	vor.u32 v3, v4  }
0x3b: {  	v4 =	vperm.xlane v3, v0;
	_ =	sdelay $0x1  }
0x3c: {  	v4 =	vadd.s32 v1, v4;
	_ =	sdelay $0x3  }
0x3d: {  	s11 =	simm.s32 $0x6000  }
0x3e: {  	[tilespmem:s11], [sflag:$0x2] =	stream.indirect_vreg.gather [hbm4b:s1+s3], $0x80, v4, vm0, $0xb8;
	[tilespmem:$0x1A000] =	vst v63  }
0x3f: {  	s2 =	simm.s32 $0x6800;
	v3 =	vperm.xlane v3, v2  }
0x40: {  	[tilespmem:s2], [sflag:$0x2] =	stream.indirect_vreg.gather [hbm4b:s5+s3], $0x80, v4, vm0, $0xb8;
	[tilespmem:$0x1A000] =	vst v63  }
0x41: {  	v3 =	vadd.s32 v1, v3;
	s2 =	simm.s32 $0x7000  }
0x42: {  	[tilespmem:s2], [sflag:$0x2] =	stream.indirect_vreg.gather [hbm4b:s6+s3], $0x80, v4, vm0, $0xb8;
	[tilespmem:$0x1A000] =	vst v63  }
0x43: {  	s2 =	simm.s32 $0x7800  }
0x44: {  	[tilespmem:s2], [sflag:$0x2] =	stream.indirect_vreg.gather [hbm4b:s8+s3], $0x80, v4, vm0, $0xb8;
	[tilespmem:$0x1A000] =	vst v63  }
0x45: {  	s2 =	simm.s32 $0x8000  }
0x46: {  	[tilespmem:s2], [sflag:$0x2] =	stream.indirect_vreg.gather [hbm4b:s1+s3], $0x80, v3, vm0, $0xb8;
	[tilespmem:$0x1A000] =	vst v63  }
0x47: {  	s2 =	simm.s32 $0x8800  }
0x48: {  	[tilespmem:s2], [sflag:$0x2] =	stream.indirect_vreg.gather [hbm4b:s5+s3], $0x80, v3, vm0, $0xb8;
	[tilespmem:$0x1A000] =	vst v63  }
0x49: {  	s2 =	simm.s32 $0x9000  }
0x4a: {  	[tilespmem:s2], [sflag:$0x2] =	stream.indirect_vreg.gather [hbm4b:s6+s3], $0x80, v3, vm0, $0xb8;
	[tilespmem:$0x1A000] =	vst v63  }
0x4b: {  	s2 =	simm.s32 $0x9800  }
0x4c: {  	[tilespmem:s2], [sflag:$0x2] =	stream.indirect_vreg.gather [hbm4b:s8+s3], $0x80, v3, vm0, $0xb8;
	[tilespmem:$0x1A000] =	vst v63  }
0x4d: {  	v3 =	vld [tilespmem:$0x100];
	_ =	sdelay $0x4  }
0x4e: {  	v60 =	vshll.u32 v3, $0x3  }
0x4f: {  	v3 =	vand.u32 $0x7, v3;
	v4 =	vand.u32 $0xFFFFFFC0, v60  }
0x50: {  	v3 =	vor.u32 v3, v4  }
0x51: {  	v4 =	vperm.xlane v3, v0;
	_ =	sdelay $0x1  }
0x52: {  	v4 =	vadd.s32 v1, v4;
	_ =	sdelay $0x4  }
0x53: {  	[tilespmem:s25], [sflag:$0x3] =	stream.indirect_vreg.gather [hbm4b:s1+s3], $0x80, v4, vm0, $0xb8;
	[tilespmem:$0x1A000] =	vst v63  }
0x54: {  	v3 =	vperm.xlane v3, v2;
	s25 =	simm.s32 $0xA800  }
0x55: {  	[tilespmem:s25], [sflag:$0x3] =	stream.indirect_vreg.gather [hbm4b:s5+s3], $0x80, v4, vm0, $0xb8;
	[tilespmem:$0x1A000] =	vst v63  }
0x56: {  	v3 =	vadd.s32 v1, v3;
	s25 =	simm.s32 $0xB000  }
0x57: {  	[tilespmem:s25], [sflag:$0x3] =	stream.indirect_vreg.gather [hbm4b:s6+s3], $0x80, v4, vm0, $0xb8;
	[tilespmem:$0x1A000] =	vst v63  }
0x58: {  	s25 =	simm.s32 $0xB800  }
0x59: {  	[tilespmem:s25], [sflag:$0x3] =	stream.indirect_vreg.gather [hbm4b:s8+s3], $0x80, v4, vm0, $0xb8;
	[tilespmem:$0x1A000] =	vst v63  }
0x5a: {  	s25 =	simm.s32 $0xC000  }
0x5b: {  	[tilespmem:s25], [sflag:$0x3] =	stream.indirect_vreg.gather [hbm4b:s1+s3], $0x80, v3, vm0, $0xb8;
	[tilespmem:$0x1A000] =	vst v63  }
0x5c: {  	s25 =	simm.s32 $0xC800  }
0x5d: {  	[tilespmem:s25], [sflag:$0x3] =	stream.indirect_vreg.gather [hbm4b:s5+s3], $0x80, v3, vm0, $0xb8;
	[tilespmem:$0x1A000] =	vst v63  }
0x5e: {  	s25 =	simm.s32 $0xD000  }
0x5f: {  	[tilespmem:s25], [sflag:$0x3] =	stream.indirect_vreg.gather [hbm4b:s6+s3], $0x80, v3, vm0, $0xb8;
	[tilespmem:$0x1A000] =	vst v63  }
0x60: {  	s25 =	simm.s32 $0xD800  }
0x61: {  	[tilespmem:s25], [sflag:$0x3] =	stream.indirect_vreg.gather [hbm4b:s8+s3], $0x80, v3, vm0, $0xb8;
	[tilespmem:$0x1A000] =	vst v63  }
0x62: {  	v3 =	vld [tilespmem:$0x180];
	_ =	sdelay $0x4  }
0x63: {  	v61 =	vshll.u32 v3, $0x3  }
0x64: {  	v3 =	vand.u32 $0x7, v3;
	v4 =	vand.u32 $0xFFFFFFC0, v61  }
0x65: {  	v3 =	vor.u32 v3, v4  }
0x66: {  	v4 =	vperm.xlane v3, v0;
	_ =	sdelay $0x1  }
0x67: {  	v4 =	vadd.s32 v1, v4;
	_ =	sdelay $0x4  }
0x68: {  	[tilespmem:s7], [sflag:$0x4] =	stream.indirect_vreg.gather [hbm4b:s1+s3], $0x80, v4, vm0, $0xb8;
	[tilespmem:$0x1A000] =	vst v63  }
0x69: {  	s25 =	simm.s32 $0xE800;
	v3 =	vperm.xlane v3, v2  }
0x6a: {  	[tilespmem:s25], [sflag:$0x4] =	stream.indirect_vreg.gather [hbm4b:s5+s3], $0x80, v4, vm0, $0xb8;
	[tilespmem:$0x1A000] =	vst v63  }
0x6b: {  	v3 =	vadd.s32 v1, v3;
	s7 =	simm.s32 $0xF000  }
0x6c: {  	[tilespmem:s7], [sflag:$0x4] =	stream.indirect_vreg.gather [hbm4b:s6+s3], $0x80, v4, vm0, $0xb8;
	[tilespmem:$0x1A000] =	vst v63  }
0x6d: {  	s25 =	simm.s32 $0xF800  }
0x6e: {  	[tilespmem:s25], [sflag:$0x4] =	stream.indirect_vreg.gather [hbm4b:s8+s3], $0x80, v4, vm0, $0xb8;
	[tilespmem:$0x1A000] =	vst v63  }
0x6f: {  	s7 =	simm.s32 $0x10000  }
0x70: {  	[tilespmem:s7], [sflag:$0x4] =	stream.indirect_vreg.gather [hbm4b:s1+s3], $0x80, v3, vm0, $0xb8;
	[tilespmem:$0x1A000] =	vst v63  }
0x71: {  	s25 =	simm.s32 $0x10800  }
0x72: {  	[tilespmem:s25], [sflag:$0x4] =	stream.indirect_vreg.gather [hbm4b:s5+s3], $0x80, v3, vm0, $0xb8;
	[tilespmem:$0x1A000] =	vst v63  }
0x73: {  	s7 =	simm.s32 $0x11000  }
0x74: {  	[tilespmem:s7], [sflag:$0x4] =	stream.indirect_vreg.gather [hbm4b:s6+s3], $0x80, v3, vm0, $0xb8;
	[tilespmem:$0x1A000] =	vst v63  }
0x75: {  	s25 =	simm.s32 $0x11800  }
0x76: {  	[tilespmem:s25], [sflag:$0x4] =	stream.indirect_vreg.gather [hbm4b:s8+s3], $0x80, v3, vm0, $0xb8;
	[tilespmem:$0x1A000] =	vst v63  }
0x77: {  	_ =	swait.ge [sflag:s28], $0x4000  }
0x78: {  	[sflag:s28] =	ssyncset.done $0x0  }
0x79: {  	s7 =	rddreg [dreg:$0x6];
	[sflag:s28] =	ssyncadd.s32 $0xFFFFC000  }
0x7a: {  	[hbm4b:s7+s3] =	stream.linear.scatter [tilespmem:s20], [sflag:$0x7], $0x4000, $0x38;
	[tilespmem:$0x1A000] =	vst v63  }
0x7b: {  	v3 =	vld [tilespmem:$0x200];
	_ =	sdelay $0x4  }
0x7c: {  	v62 =	vshll.u32 v3, $0x3  }
0x7d: {  	v3 =	vand.u32 $0x7, v3;
	v4 =	vand.u32 $0xFFFFFFC0, v62  }
0x7e: {  	v3 =	vor.u32 v3, v4  }
0x7f: {  	v4 =	vperm.xlane v3, v0;
	_ =	sdelay $0x1  }
0x80: {  	v4 =	vadd.s32 v1, v4;
	_ =	sdelay $0x4  }
0x81: {  	[tilespmem:s29], [sflag:$0x5] =	stream.indirect_vreg.gather [hbm4b:s1+s3], $0x80, v4, vm0, $0xb8;
	[tilespmem:$0x1A000] =	vst v63  }
0x82: {  	v3 =	vperm.xlane v3, v2  }
0x83: {  	[tilespmem:s15], [sflag:$0x5] =	stream.indirect_vreg.gather [hbm4b:s5+s3], $0x80, v4, vm0, $0xb8;
	[tilespmem:$0x1A000] =	vst v63  }
0x84: {  	v3 =	vadd.s32 v1, v3  }
0x85: {  	[tilespmem:s0], [sflag:$0x5] =	stream.indirect_vreg.gather [hbm4b:s6+s3], $0x80, v4, vm0, $0xb8;
	[tilespmem:$0x1A000] =	vst v63  }
0x86: {  	_ = 	snop  }
0x87: {  	[tilespmem:s16], [sflag:$0x5] =	stream.indirect_vreg.gather [hbm4b:s8+s3], $0x80, v4, vm0, $0xb8;
	[tilespmem:$0x1A000] =	vst v63  }
0x88: {  	_ = 	snop  }
0x89: {  	[tilespmem:s4], [sflag:$0x5] =	stream.indirect_vreg.gather [hbm4b:s1+s3], $0x80, v3, vm0, $0xb8;
	[tilespmem:$0x1A000] =	vst v63  }
0x8a: {  	_ = 	snop  }
0x8b: {  	[tilespmem:s17], [sflag:$0x5] =	stream.indirect_vreg.gather [hbm4b:s5+s3], $0x80, v3, vm0, $0xb8;
	[tilespmem:$0x1A000] =	vst v63  }
0x8c: {  	_ = 	snop  }
0x8d: {  	[tilespmem:s14], [sflag:$0x5] =	stream.indirect_vreg.gather [hbm4b:s6+s3], $0x80, v3, vm0, $0xb8;
	[tilespmem:$0x1A000] =	vst v63  }
0x8e: {  	_ = 	snop  }
0x8f: {  	[tilespmem:s30], [sflag:$0x5] =	stream.indirect_vreg.gather [hbm4b:s8+s3], $0x80, v3, vm0, $0xb8;
	[tilespmem:$0x1A000] =	vst v63  }
0x90: {  	_ =	swait.ge [sflag:s13], $0x4000  }
0x91: {  	[sflag:s13] =	ssyncset.done $0x0  }
0x92: {  	s25 =	rddreg [dreg:$0x7];
	[sflag:s13] =	ssyncadd.s32 $0xFFFFC000  }
0x93: {  	[hbm4b:s25+s3] =	stream.linear.scatter [tilespmem:s11], [sflag:$0x8], $0x4000, $0x38;
	[tilespmem:$0x1A000] =	vst v63  }
0x94: {  	v3 =	vld [tilespmem:$0x280];
	_ =	sdelay $0x4  }
0x95: {  	v63 =	vshll.u32 v3, $0x3  }
0x96: {  	v3 =	vand.u32 $0x7, v3;
	v4 =	vand.u32 $0xFFFFFFC0, v63  }
0x97: {  	v3 =	vor.u32 v3, v4  }
0x98: {  	v4 =	vperm.xlane v3, v0;
	_ =	sdelay $0x1  }
0x99: {  	v4 =	vadd.s32 v1, v4;
	_ =	sdelay $0x4  }
0x9a: {  	[tilespmem:s26], [sflag:$0x6] =	stream.indirect_vreg.gather [hbm4b:s1+s3], $0x80, v4, vm0, $0xb8;
	[tilespmem:$0x1A000] =	vst v63  }
0x9b: {  	v3 =	vperm.xlane v3, v2;
	s26 =	simm.s32 $0x16800  }
0x9c: {  	[tilespmem:s26], [sflag:$0x6] =	stream.indirect_vreg.gather [hbm4b:s5+s3], $0x80, v4, vm0, $0xb8;
	[tilespmem:$0x1A000] =	vst v63  }
0x9d: {  	s29 =	simm.s32 $0x17000;
	v3 =	vadd.s32 v1, v3  }
0x9e: {  	[tilespmem:s29], [sflag:$0x6] =	stream.indirect_vreg.gather [hbm4b:s6+s3], $0x80, v4, vm0, $0xb8;
	[tilespmem:$0x1A000] =	vst v63  }
0x9f: {  	s30 =	simm.s32 $0x17800  }
0xa0: {  	[tilespmem:s30], [sflag:$0x6] =	stream.indirect_vreg.gather [hbm4b:s8+s3], $0x80, v4, vm0, $0xb8;
	[tilespmem:$0x1A000] =	vst v63  }
0xa1: {  	s4 =	simm.s32 $0x18000  }
0xa2: {  	[tilespmem:s4], [sflag:$0x6] =	stream.indirect_vreg.gather [hbm4b:s1+s3], $0x80, v3, vm0, $0xb8;
	[tilespmem:$0x1A000] =	vst v63  }
0xa3: {  	s16 =	simm.s32 $0x18800  }
0xa4: {  	[tilespmem:s16], [sflag:$0x6] =	stream.indirect_vreg.gather [hbm4b:s5+s3], $0x80, v3, vm0, $0xb8;
	[tilespmem:$0x1A000] =	vst v63  }
0xa5: {  	s17 =	simm.s32 $0x19000  }
0xa6: {  	[tilespmem:s17], [sflag:$0x6] =	stream.indirect_vreg.gather [hbm4b:s6+s3], $0x80, v3, vm0, $0xb8;
	[tilespmem:$0x1A000] =	vst v63  }
0xa7: {  	s20 =	simm.s32 $0x19800;
	s15 =	simm.s32 $0x0;
	s25 =	simm.s32 $0x580  }
0xa8: {  	[tilespmem:s20], [sflag:$0x6] =	stream.indirect_vreg.gather [hbm4b:s8+s3], $0x80, v3, vm0, $0xb8;
	[tilespmem:$0x1A000] =	vst v63  }
.LBB2_2:
0xa9: {  	_ =	swait.ge [sflag:s18], $0x4000  }
0xaa: {  	s26 =	rddreg [dreg:$0x4]  }
0xab: {  	[sflag:s18] =	ssyncset.done $0x0;
	s26 =	sadd.s32 s15, s26  }
0xac: {  	s30 =	simm.s32 $0xA000;
	[sflag:s18] =	ssyncadd.s32 $0xFFFFC000;
	s2 =	sadd.s32 $0x1000, s26  }
0xad: {  	[hbm4b:s2+s3] =	stream.linear.scatter [tilespmem:s30], [sflag:$0x9], $0x4000, $0x38;
	[tilespmem:$0x1A000] =	vst v63  }
0xae: {  	_ =	swait.ge [sflag:s9], $0x4000  }
0xaf: {  	[sflag:s9] =	ssyncset.done $0x0  }
0xb0: {  	[sflag:s9] =	ssyncadd.s32 $0xFFFFC000  }
0xb1: {  	v3 =	vld [tilespmem:s25+$0xFFFFFD80];
	_ =	sdelay $0x4  }
0xb2: {  	v4 =	vshll.u32 v3, $0x3  }
0xb3: {  	v3 =	vand.u32 $0x7, v3;
	v4 =	vand.u32 $0xFFFFFFC0, v4  }
0xb4: {  	v3 =	vor.u32 v3, v4  }
0xb5: {  	v4 =	vperm.xlane v3, v0;
	_ =	sdelay $0x1  }
0xb6: {  	v4 =	vadd.s32 v1, v4;
	_ =	sdelay $0x3  }
0xb7: {  	s29 =	simm.s32 $0x2000  }
0xb8: {  	[tilespmem:s29], [sflag:$0x1] =	stream.indirect_vreg.gather [hbm4b:s1+s3], $0x80, v4, vm0, $0xb8;
	[tilespmem:$0x1A000] =	vst v63  }
0xb9: {  	s7 =	simm.s32 $0x2800;
	v3 =	vperm.xlane v3, v2  }
0xba: {  	[tilespmem:s7], [sflag:$0x1] =	stream.indirect_vreg.gather [hbm4b:s5+s3], $0x80, v4, vm0, $0xb8;
	[tilespmem:$0x1A000] =	vst v63  }
0xbb: {  	s11 =	simm.s32 $0x3000;
	v3 =	vadd.s32 v1, v3  }
0xbc: {  	[tilespmem:s11], [sflag:$0x1] =	stream.indirect_vreg.gather [hbm4b:s6+s3], $0x80, v4, vm0, $0xb8;
	[tilespmem:$0x1A000] =	vst v63  }
0xbd: {  	s14 =	simm.s32 $0x3800  }
0xbe: {  	[tilespmem:s14], [sflag:$0x1] =	stream.indirect_vreg.gather [hbm4b:s8+s3], $0x80, v4, vm0, $0xb8;
	[tilespmem:$0x1A000] =	vst v63  }
0xbf: {  	s0 =	simm.s32 $0x4000  }
0xc0: {  	[tilespmem:s0], [sflag:$0x1] =	stream.indirect_vreg.gather [hbm4b:s1+s3], $0x80, v3, vm0, $0xb8;
	[tilespmem:$0x1A000] =	vst v63  }
0xc1: {  	s7 =	simm.s32 $0x4800  }
0xc2: {  	[tilespmem:s7], [sflag:$0x1] =	stream.indirect_vreg.gather [hbm4b:s5+s3], $0x80, v3, vm0, $0xb8;
	[tilespmem:$0x1A000] =	vst v63  }
0xc3: {  	s11 =	simm.s32 $0x5000  }
0xc4: {  	[tilespmem:s11], [sflag:$0x1] =	stream.indirect_vreg.gather [hbm4b:s6+s3], $0x80, v3, vm0, $0xb8;
	[tilespmem:$0x1A000] =	vst v63  }
0xc5: {  	s14 =	simm.s32 $0x5800  }
0xc6: {  	[tilespmem:s14], [sflag:$0x1] =	stream.indirect_vreg.gather [hbm4b:s8+s3], $0x80, v3, vm0, $0xb8;
	[tilespmem:$0x1A000] =	vst v63  }
0xc7: {  	_ =	swait.ge [sflag:s10], $0x4000  }
0xc8: {  	[sflag:s10] =	ssyncset.done $0x0  }
0xc9: {  	s0 =	sadd.s32 $0x1800, s26;
	s14 =	simm.s32 $0xE000;
	[sflag:s10] =	ssyncadd.s32 $0xFFFFC000  }
0xca: {  	[hbm4b:s0+s3] =	stream.linear.scatter [tilespmem:s14], [sflag:$0xA], $0x4000, $0x38;
	[tilespmem:$0x1A000] =	vst v63  }
0xcb: {  	_ =	swait.ge [sflag:s19], $0x4000  }
0xcc: {  	[sflag:s19] =	ssyncset.done $0x0  }
0xcd: {  	[sflag:s19] =	ssyncadd.s32 $0xFFFFC000  }
0xce: {  	v3 =	vld [tilespmem:s25+$0xFFFFFE00];
	_ =	sdelay $0x4  }
0xcf: {  	v59 =	vshll.u32 v3, $0x3  }
0xd0: {  	v3 =	vand.u32 $0x7, v3;
	v4 =	vand.u32 $0xFFFFFFC0, v59  }
0xd1: {  	v3 =	vor.u32 v3, v4  }
0xd2: {  	v4 =	vperm.xlane v3, v0;
	_ =	sdelay $0x1  }
0xd3: {  	v4 =	vadd.s32 v1, v4;
	_ =	sdelay $0x3  }
0xd4: {  	s11 =	simm.s32 $0x6000  }
0xd5: {  	[tilespmem:s11], [sflag:$0x2] =	stream.indirect_vreg.gather [hbm4b:s1+s3], $0x80, v4, vm0, $0xb8;
	[tilespmem:$0x1A000] =	vst v63  }
0xd6: {  	s7 =	simm.s32 $0x6800;
	v3 =	vperm.xlane v3, v2  }
0xd7: {  	[tilespmem:s7], [sflag:$0x2] =	stream.indirect_vreg.gather [hbm4b:s5+s3], $0x80, v4, vm0, $0xb8;
	[tilespmem:$0x1A000] =	vst v63  }
0xd8: {  	s0 =	simm.s32 $0x7000;
	v3 =	vadd.s32 v1, v3  }
0xd9: {  	[tilespmem:s0], [sflag:$0x2] =	stream.indirect_vreg.gather [hbm4b:s6+s3], $0x80, v4, vm0, $0xb8;
	[tilespmem:$0x1A000] =	vst v63  }
0xda: {  	s7 =	simm.s32 $0x7800  }
0xdb: {  	[tilespmem:s7], [sflag:$0x2] =	stream.indirect_vreg.gather [hbm4b:s8+s3], $0x80, v4, vm0, $0xb8;
	[tilespmem:$0x1A000] =	vst v63  }
0xdc: {  	s0 =	simm.s32 $0x8000  }
0xdd: {  	[tilespmem:s0], [sflag:$0x2] =	stream.indirect_vreg.gather [hbm4b:s1+s3], $0x80, v3, vm0, $0xb8;
	[tilespmem:$0x1A000] =	vst v63  }
0xde: {  	s7 =	simm.s32 $0x8800  }
0xdf: {  	[tilespmem:s7], [sflag:$0x2] =	stream.indirect_vreg.gather [hbm4b:s5+s3], $0x80, v3, vm0, $0xb8;
	[tilespmem:$0x1A000] =	vst v63  }
0xe0: {  	s0 =	simm.s32 $0x9000  }
0xe1: {  	[tilespmem:s0], [sflag:$0x2] =	stream.indirect_vreg.gather [hbm4b:s6+s3], $0x80, v3, vm0, $0xb8;
	[tilespmem:$0x1A000] =	vst v63  }
0xe2: {  	s7 =	simm.s32 $0x9800  }
0xe3: {  	[tilespmem:s7], [sflag:$0x2] =	stream.indirect_vreg.gather [hbm4b:s8+s3], $0x80, v3, vm0, $0xb8;
	[tilespmem:$0x1A000] =	vst v63  }
0xe4: {  	_ =	swait.ge [sflag:s21], $0x4000  }
0xe5: {  	[sflag:s21] =	ssyncset.done $0x0  }
0xe6: {  	s0 =	sadd.s32 $0x2000, s26;
	s7 =	simm.s32 $0x12000;
	[sflag:s21] =	ssyncadd.s32 $0xFFFFC000  }
0xe7: {  	[hbm4b:s0+s3] =	stream.linear.scatter [tilespmem:s7], [sflag:$0xB], $0x4000, $0x38;
	[tilespmem:$0x1A000] =	vst v63  }
0xe8: {  	_ =	swait.ge [sflag:s12], $0x4000  }
0xe9: {  	[sflag:s12] =	ssyncset.done $0x0  }
0xea: {  	[sflag:s12] =	ssyncadd.s32 $0xFFFFC000  }
0xeb: {  	v3 =	vld [tilespmem:s25+$0xFFFFFE80];
	_ =	sdelay $0x4  }
0xec: {  	v60 =	vshll.u32 v3, $0x3  }
0xed: {  	v3 =	vand.u32 $0x7, v3;
	v4 =	vand.u32 $0xFFFFFFC0, v60  }
0xee: {  	v3 =	vor.u32 v3, v4  }
0xef: {  	v4 =	vperm.xlane v3, v0;
	_ =	sdelay $0x1  }
0xf0: {  	v4 =	vadd.s32 v1, v4;
	_ =	sdelay $0x4  }
0xf1: {  	[tilespmem:s30], [sflag:$0x3] =	stream.indirect_vreg.gather [hbm4b:s1+s3], $0x80, v4, vm0, $0xb8;
	[tilespmem:$0x1A000] =	vst v63  }
0xf2: {  	s0 =	simm.s32 $0xA800;
	v3 =	vperm.xlane v3, v2  }
0xf3: {  	[tilespmem:s0], [sflag:$0x3] =	stream.indirect_vreg.gather [hbm4b:s5+s3], $0x80, v4, vm0, $0xb8;
	[tilespmem:$0x1A000] =	vst v63  }
0xf4: {  	v3 =	vadd.s32 v1, v3;
	s0 =	simm.s32 $0xB000  }
0xf5: {  	[tilespmem:s0], [sflag:$0x3] =	stream.indirect_vreg.gather [hbm4b:s6+s3], $0x80, v4, vm0, $0xb8;
	[tilespmem:$0x1A000] =	vst v63  }
0xf6: {  	s0 =	simm.s32 $0xB800  }
0xf7: {  	[tilespmem:s0], [sflag:$0x3] =	stream.indirect_vreg.gather [hbm4b:s8+s3], $0x80, v4, vm0, $0xb8;
	[tilespmem:$0x1A000] =	vst v63  }
0xf8: {  	s0 =	simm.s32 $0xC000  }
0xf9: {  	[tilespmem:s0], [sflag:$0x3] =	stream.indirect_vreg.gather [hbm4b:s1+s3], $0x80, v3, vm0, $0xb8;
	[tilespmem:$0x1A000] =	vst v63  }
0xfa: {  	s0 =	simm.s32 $0xC800  }
0xfb: {  	[tilespmem:s0], [sflag:$0x3] =	stream.indirect_vreg.gather [hbm4b:s5+s3], $0x80, v3, vm0, $0xb8;
	[tilespmem:$0x1A000] =	vst v63  }
0xfc: {  	s0 =	simm.s32 $0xD000  }
0xfd: {  	[tilespmem:s0], [sflag:$0x3] =	stream.indirect_vreg.gather [hbm4b:s6+s3], $0x80, v3, vm0, $0xb8;
	[tilespmem:$0x1A000] =	vst v63  }
0xfe: {  	s0 =	simm.s32 $0xD800  }
0xff: {  	[tilespmem:s0], [sflag:$0x3] =	stream.indirect_vreg.gather [hbm4b:s8+s3], $0x80, v3, vm0, $0xb8;
	[tilespmem:$0x1A000] =	vst v63  }
0x100: {  	_ =	swait.ge [sflag:s22], $0x4000  }
0x101: {  	[sflag:s22] =	ssyncset.done $0x0  }
0x102: {  	s2 =	sadd.s32 $0x2800, s26;
	s0 =	simm.s32 $0x16000;
	[sflag:s22] =	ssyncadd.s32 $0xFFFFC000  }
0x103: {  	[hbm4b:s2+s3] =	stream.linear.scatter [tilespmem:s0], [sflag:$0xC], $0x4000, $0x38;
	[tilespmem:$0x1A000] =	vst v63  }
0x104: {  	_ =	swait.ge [sflag:s23], $0x4000  }
0x105: {  	[sflag:s23] =	ssyncset.done $0x0  }
0x106: {  	[sflag:s23] =	ssyncadd.s32 $0xFFFFC000  }
0x107: {  	v3 =	vld [tilespmem:s25+$0xFFFFFF00];
	_ =	sdelay $0x4  }
0x108: {  	v61 =	vshll.u32 v3, $0x3  }
0x109: {  	v3 =	vand.u32 $0x7, v3;
	v4 =	vand.u32 $0xFFFFFFC0, v61  }
0x10a: {  	v3 =	vor.u32 v3, v4  }
0x10b: {  	v4 =	vperm.xlane v3, v0;
	_ =	sdelay $0x1  }
0x10c: {  	v4 =	vadd.s32 v1, v4;
	_ =	sdelay $0x4  }
0x10d: {  	[tilespmem:s14], [sflag:$0x4] =	stream.indirect_vreg.gather [hbm4b:s1+s3], $0x80, v4, vm0, $0xb8;
	[tilespmem:$0x1A000] =	vst v63  }
0x10e: {  	s2 =	simm.s32 $0xE800;
	v3 =	vperm.xlane v3, v2  }
0x10f: {  	[tilespmem:s2], [sflag:$0x4] =	stream.indirect_vreg.gather [hbm4b:s5+s3], $0x80, v4, vm0, $0xb8;
	[tilespmem:$0x1A000] =	vst v63  }
0x110: {  	v3 =	vadd.s32 v1, v3;
	s2 =	simm.s32 $0xF000  }
0x111: {  	[tilespmem:s2], [sflag:$0x4] =	stream.indirect_vreg.gather [hbm4b:s6+s3], $0x80, v4, vm0, $0xb8;
	[tilespmem:$0x1A000] =	vst v63  }
0x112: {  	s2 =	simm.s32 $0xF800  }
0x113: {  	[tilespmem:s2], [sflag:$0x4] =	stream.indirect_vreg.gather [hbm4b:s8+s3], $0x80, v4, vm0, $0xb8;
	[tilespmem:$0x1A000] =	vst v63  }
0x114: {  	s2 =	simm.s32 $0x10000  }
0x115: {  	[tilespmem:s2], [sflag:$0x4] =	stream.indirect_vreg.gather [hbm4b:s1+s3], $0x80, v3, vm0, $0xb8;
	[tilespmem:$0x1A000] =	vst v63  }
0x116: {  	s2 =	simm.s32 $0x10800  }
0x117: {  	[tilespmem:s2], [sflag:$0x4] =	stream.indirect_vreg.gather [hbm4b:s5+s3], $0x80, v3, vm0, $0xb8;
	[tilespmem:$0x1A000] =	vst v63  }
0x118: {  	s2 =	simm.s32 $0x11000  }
0x119: {  	[tilespmem:s2], [sflag:$0x4] =	stream.indirect_vreg.gather [hbm4b:s6+s3], $0x80, v3, vm0, $0xb8;
	[tilespmem:$0x1A000] =	vst v63  }
0x11a: {  	s2 =	simm.s32 $0x11800  }
0x11b: {  	[tilespmem:s2], [sflag:$0x4] =	stream.indirect_vreg.gather [hbm4b:s8+s3], $0x80, v3, vm0, $0xb8;
	[tilespmem:$0x1A000] =	vst v63  }
0x11c: {  	_ =	swait.ge [sflag:s28], $0x4000  }
0x11d: {  	[sflag:s28] =	ssyncset.done $0x0  }
0x11e: {  	s2 =	sadd.s32 $0x3000, s26;
	[sflag:s28] =	ssyncadd.s32 $0xFFFFC000  }
0x11f: {  	[hbm4b:s2+s3] =	stream.linear.scatter [tilespmem:s29], [sflag:$0x7], $0x4000, $0x38;
	[tilespmem:$0x1A000] =	vst v63  }
0x120: {  	_ =	swait.ge [sflag:s24], $0x4000  }
0x121: {  	[sflag:s24] =	ssyncset.done $0x0  }
0x122: {  	[sflag:s24] =	ssyncadd.s32 $0xFFFFC000  }
0x123: {  	v3 =	vld [tilespmem:s25+$0xFFFFFF80];
	_ =	sdelay $0x4  }
0x124: {  	v62 =	vshll.u32 v3, $0x3  }
0x125: {  	v3 =	vand.u32 $0x7, v3;
	v4 =	vand.u32 $0xFFFFFFC0, v62  }
0x126: {  	v3 =	vor.u32 v3, v4  }
0x127: {  	v4 =	vperm.xlane v3, v0;
	_ =	sdelay $0x1  }
0x128: {  	v4 =	vadd.s32 v1, v4;
	_ =	sdelay $0x4  }
0x129: {  	[tilespmem:s7], [sflag:$0x5] =	stream.indirect_vreg.gather [hbm4b:s1+s3], $0x80, v4, vm0, $0xb8;
	[tilespmem:$0x1A000] =	vst v63  }
0x12a: {  	v3 =	vperm.xlane v3, v2;
	s7 =	simm.s32 $0x12800  }
0x12b: {  	[tilespmem:s7], [sflag:$0x5] =	stream.indirect_vreg.gather [hbm4b:s5+s3], $0x80, v4, vm0, $0xb8;
	[tilespmem:$0x1A000] =	vst v63  }
0x12c: {  	v3 =	vadd.s32 v1, v3;
	s7 =	simm.s32 $0x13000  }
0x12d: {  	[tilespmem:s7], [sflag:$0x5] =	stream.indirect_vreg.gather [hbm4b:s6+s3], $0x80, v4, vm0, $0xb8;
	[tilespmem:$0x1A000] =	vst v63  }
0x12e: {  	s7 =	simm.s32 $0x13800  }
0x12f: {  	[tilespmem:s7], [sflag:$0x5] =	stream.indirect_vreg.gather [hbm4b:s8+s3], $0x80, v4, vm0, $0xb8;
	[tilespmem:$0x1A000] =	vst v63  }
0x130: {  	s7 =	simm.s32 $0x14000  }
0x131: {  	[tilespmem:s7], [sflag:$0x5] =	stream.indirect_vreg.gather [hbm4b:s1+s3], $0x80, v3, vm0, $0xb8;
	[tilespmem:$0x1A000] =	vst v63  }
0x132: {  	s7 =	simm.s32 $0x14800  }
0x133: {  	[tilespmem:s7], [sflag:$0x5] =	stream.indirect_vreg.gather [hbm4b:s5+s3], $0x80, v3, vm0, $0xb8;
	[tilespmem:$0x1A000] =	vst v63  }
0x134: {  	s14 =	simm.s32 $0x15000  }
0x135: {  	[tilespmem:s14], [sflag:$0x5] =	stream.indirect_vreg.gather [hbm4b:s6+s3], $0x80, v3, vm0, $0xb8;
	[tilespmem:$0x1A000] =	vst v63  }
0x136: {  	s30 =	simm.s32 $0x15800  }
0x137: {  	[tilespmem:s30], [sflag:$0x5] =	stream.indirect_vreg.gather [hbm4b:s8+s3], $0x80, v3, vm0, $0xb8;
	[tilespmem:$0x1A000] =	vst v63  }
0x138: {  	_ =	swait.ge [sflag:s13], $0x4000  }
0x139: {  	[sflag:s13] =	ssyncset.done $0x0  }
0x13a: {  	s26 =	sadd.s32 $0x3800, s26;
	[sflag:s13] =	ssyncadd.s32 $0xFFFFC000  }
0x13b: {  	[hbm4b:s26+s3] =	stream.linear.scatter [tilespmem:s11], [sflag:$0x8], $0x4000, $0x38;
	[tilespmem:$0x1A000] =	vst v63  }
0x13c: {  	_ =	swait.ge [sflag:s31], $0x4000  }
0x13d: {  	[sflag:s31] =	ssyncset.done $0x0  }
0x13e: {  	[sflag:s31] =	ssyncadd.s32 $0xFFFFC000  }
0x13f: {  	v3 =	vld [tilespmem:s25+$0x0];
	_ =	sdelay $0x4  }
0x140: {  	v63 =	vshll.u32 v3, $0x3  }
0x141: {  	v3 =	vand.u32 $0x7, v3;
	v4 =	vand.u32 $0xFFFFFFC0, v63  }
0x142: {  	v3 =	vor.u32 v3, v4  }
0x143: {  	v4 =	vperm.xlane v3, v0;
	_ =	sdelay $0x1  }
0x144: {  	v4 =	vadd.s32 v1, v4;
	_ =	sdelay $0x4  }
0x145: {  	[tilespmem:s0], [sflag:$0x6] =	stream.indirect_vreg.gather [hbm4b:s1+s3], $0x80, v4, vm0, $0xb8;
	[tilespmem:$0x1A000] =	vst v63  }
0x146: {  	s2 =	simm.s32 $0x16800;
	v3 =	vperm.xlane v3, v2  }
0x147: {  	[tilespmem:s2], [sflag:$0x6] =	stream.indirect_vreg.gather [hbm4b:s5+s3], $0x80, v4, vm0, $0xb8;
	[tilespmem:$0x1A000] =	vst v63  }
0x148: {  	s7 =	simm.s32 $0x17000;
	v3 =	vadd.s32 v1, v3  }
0x149: {  	[tilespmem:s7], [sflag:$0x6] =	stream.indirect_vreg.gather [hbm4b:s6+s3], $0x80, v4, vm0, $0xb8;
	[tilespmem:$0x1A000] =	vst v63  }
0x14a: {  	s11 =	simm.s32 $0x17800  }
0x14b: {  	[tilespmem:s11], [sflag:$0x6] =	stream.indirect_vreg.gather [hbm4b:s8+s3], $0x80, v4, vm0, $0xb8;
	[tilespmem:$0x1A000] =	vst v63  }
0x14c: {  	_ = 	snop  }
0x14d: {  	[tilespmem:s4], [sflag:$0x6] =	stream.indirect_vreg.gather [hbm4b:s1+s3], $0x80, v3, vm0, $0xb8;
	[tilespmem:$0x1A000] =	vst v63  }
0x14e: {  	p0 =	sne.s32 s15, $0x18000  }
0x14f: {  	[tilespmem:s16], [sflag:$0x6] =	stream.indirect_vreg.gather [hbm4b:s5+s3], $0x80, v3, vm0, $0xb8;
	[tilespmem:$0x1A000] =	vst v63  }
.Ltmp0:
0x150: {  	_ = 	snop;
	(pc) =	sbr.rel @p0 .LBB2_2-.Ltmp0, $4  }
0x151: {  	s15 =	sadd.s32 $0x3000, s15  }
0x152: {  	[tilespmem:s17], [sflag:$0x6] =	stream.indirect_vreg.gather [hbm4b:s6+s3], $0x80, v3, vm0, $0xb8;
	[tilespmem:$0x1A000] =	vst v63  }
0x153: {  	s29 =	simm.s32 $0x12000;
	s26 =	simm.s32 $0x16000;
	s25 =	sadd.s32 $0x300, s25  }
0x154: {  	[tilespmem:s20], [sflag:$0x6] =	stream.indirect_vreg.gather [hbm4b:s8+s3], $0x80, v3, vm0, $0xb8;
	[tilespmem:$0x1A000] =	vst v63  }
0x155: {  	_ =	swait.ge [sflag:s18], $0x4000  }
0x156: {  	[sflag:s18] =	ssyncset.done $0x0  }
0x157: {  	s11 =	simm.s32 $0xA000;
	s2 =	rddreg [dreg:$0x8];
	[sflag:s18] =	ssyncadd.s32 $0xFFFFC000  }
0x158: {  	[hbm4b:s2+s3] =	stream.linear.scatter [tilespmem:s11], [sflag:$0x9], $0x4000, $0x38;
	[tilespmem:$0x1A000] =	vst v63  }
0x159: {  	_ =	swait.ge [sflag:s9], $0x4000  }
0x15a: {  	[sflag:s9] =	ssyncset.done $0x0  }
0x15b: {  	[sflag:s9] =	ssyncadd.s32 $0xFFFFC000  }
0x15c: {  	v3 =	vld [tilespmem:$0x1E00];
	_ =	sdelay $0x4  }
0x15d: {  	v4 =	vshll.u32 v3, $0x3  }
0x15e: {  	v3 =	vand.u32 $0x7, v3;
	v4 =	vand.u32 $0xFFFFFFC0, v4  }
0x15f: {  	v3 =	vor.u32 v3, v4  }
0x160: {  	v4 =	vperm.xlane v3, v0;
	_ =	sdelay $0x1  }
0x161: {  	v4 =	vadd.s32 v1, v4;
	_ =	sdelay $0x3  }
0x162: {  	s0 =	simm.s32 $0x2000  }
0x163: {  	[tilespmem:s0], [sflag:$0x1] =	stream.indirect_vreg.gather [hbm4b:s1+s3], $0x80, v4, vm0, $0xb8;
	[tilespmem:$0x1A000] =	vst v63  }
0x164: {  	s7 =	simm.s32 $0x2800;
	v3 =	vperm.xlane v3, v2  }
0x165: {  	[tilespmem:s7], [sflag:$0x1] =	stream.indirect_vreg.gather [hbm4b:s5+s3], $0x80, v4, vm0, $0xb8;
	[tilespmem:$0x1A000] =	vst v63  }
0x166: {  	s15 =	simm.s32 $0x3000;
	v3 =	vadd.s32 v1, v3  }
0x167: {  	[tilespmem:s15], [sflag:$0x1] =	stream.indirect_vreg.gather [hbm4b:s6+s3], $0x80, v4, vm0, $0xb8;
	[tilespmem:$0x1A000] =	vst v63  }
0x168: {  	s16 =	simm.s32 $0x3800  }
0x169: {  	[tilespmem:s16], [sflag:$0x1] =	stream.indirect_vreg.gather [hbm4b:s8+s3], $0x80, v4, vm0, $0xb8;
	[tilespmem:$0x1A000] =	vst v63  }
0x16a: {  	s17 =	simm.s32 $0x4000  }
0x16b: {  	[tilespmem:s17], [sflag:$0x1] =	stream.indirect_vreg.gather [hbm4b:s1+s3], $0x80, v3, vm0, $0xb8;
	[tilespmem:$0x1A000] =	vst v63  }
0x16c: {  	s20 =	simm.s32 $0x4800  }
0x16d: {  	[tilespmem:s20], [sflag:$0x1] =	stream.indirect_vreg.gather [hbm4b:s5+s3], $0x80, v3, vm0, $0xb8;
	[tilespmem:$0x1A000] =	vst v63  }
0x16e: {  	s25 =	simm.s32 $0x5000  }
0x16f: {  	[tilespmem:s25], [sflag:$0x1] =	stream.indirect_vreg.gather [hbm4b:s6+s3], $0x80, v3, vm0, $0xb8;
	[tilespmem:$0x1A000] =	vst v63  }
0x170: {  	s4 =	simm.s32 $0x5800  }
0x171: {  	[tilespmem:s4], [sflag:$0x1] =	stream.indirect_vreg.gather [hbm4b:s8+s3], $0x80, v3, vm0, $0xb8;
	[tilespmem:$0x1A000] =	vst v63  }
0x172: {  	_ =	swait.ge [sflag:s10], $0x4000  }
0x173: {  	[sflag:s10] =	ssyncset.done $0x0  }
0x174: {  	s15 =	simm.s32 $0xE000;
	s7 =	rddreg [dreg:$0x9];
	[sflag:s10] =	ssyncadd.s32 $0xFFFFC000  }
0x175: {  	[hbm4b:s7+s3] =	stream.linear.scatter [tilespmem:s15], [sflag:$0xA], $0x4000, $0x38;
	[tilespmem:$0x1A000] =	vst v63  }
0x176: {  	_ =	swait.ge [sflag:s19], $0x4000  }
0x177: {  	[sflag:s19] =	ssyncset.done $0x0  }
0x178: {  	[sflag:s19] =	ssyncadd.s32 $0xFFFFC000  }
0x179: {  	v3 =	vld [tilespmem:$0x1E80];
	_ =	sdelay $0x4  }
0x17a: {  	v61 =	vshll.u32 v3, $0x3  }
0x17b: {  	v3 =	vand.u32 $0x7, v3;
	v4 =	vand.u32 $0xFFFFFFC0, v61  }
0x17c: {  	v3 =	vor.u32 v3, v4  }
0x17d: {  	v4 =	vperm.xlane v3, v0;
	_ =	sdelay $0x1  }
0x17e: {  	v4 =	vadd.s32 v1, v4;
	_ =	sdelay $0x3  }
0x17f: {  	s4 =	simm.s32 $0x6000  }
0x180: {  	[tilespmem:s4], [sflag:$0x2] =	stream.indirect_vreg.gather [hbm4b:s1+s3], $0x80, v4, vm0, $0xb8;
	[tilespmem:$0x1A000] =	vst v63  }
0x181: {  	s16 =	simm.s32 $0x6800;
	v3 =	vperm.xlane v3, v2  }
0x182: {  	[tilespmem:s16], [sflag:$0x2] =	stream.indirect_vreg.gather [hbm4b:s5+s3], $0x80, v4, vm0, $0xb8;
	[tilespmem:$0x1A000] =	vst v63  }
0x183: {  	s17 =	simm.s32 $0x7000;
	v3 =	vadd.s32 v1, v3  }
0x184: {  	[tilespmem:s17], [sflag:$0x2] =	stream.indirect_vreg.gather [hbm4b:s6+s3], $0x80, v4, vm0, $0xb8;
	[tilespmem:$0x1A000] =	vst v63  }
0x185: {  	s20 =	simm.s32 $0x7800  }
0x186: {  	[tilespmem:s20], [sflag:$0x2] =	stream.indirect_vreg.gather [hbm4b:s8+s3], $0x80, v4, vm0, $0xb8;
	[tilespmem:$0x1A000] =	vst v63  }
0x187: {  	s25 =	simm.s32 $0x8000  }
0x188: {  	[tilespmem:s25], [sflag:$0x2] =	stream.indirect_vreg.gather [hbm4b:s1+s3], $0x80, v3, vm0, $0xb8;
	[tilespmem:$0x1A000] =	vst v63  }
0x189: {  	s7 =	simm.s32 $0x8800  }
0x18a: {  	[tilespmem:s7], [sflag:$0x2] =	stream.indirect_vreg.gather [hbm4b:s5+s3], $0x80, v3, vm0, $0xb8;
	[tilespmem:$0x1A000] =	vst v63  }
0x18b: {  	s16 =	simm.s32 $0x9000  }
0x18c: {  	[tilespmem:s16], [sflag:$0x2] =	stream.indirect_vreg.gather [hbm4b:s6+s3], $0x80, v3, vm0, $0xb8;
	[tilespmem:$0x1A000] =	vst v63  }
0x18d: {  	s17 =	simm.s32 $0x9800  }
0x18e: {  	[tilespmem:s17], [sflag:$0x2] =	stream.indirect_vreg.gather [hbm4b:s8+s3], $0x80, v3, vm0, $0xb8;
	[tilespmem:$0x1A000] =	vst v63  }
0x18f: {  	_ =	swait.ge [sflag:s21], $0x4000  }
0x190: {  	[sflag:s21] =	ssyncset.done $0x0  }
0x191: {  	s20 =	rddreg [dreg:$0xa];
	[sflag:s21] =	ssyncadd.s32 $0xFFFFC000  }
0x192: {  	[hbm4b:s20+s3] =	stream.linear.scatter [tilespmem:s29], [sflag:$0xB], $0x4000, $0x38;
	[tilespmem:$0x1A000] =	vst v63  }
0x193: {  	_ =	swait.ge [sflag:s12], $0x4000  }
0x194: {  	[sflag:s12] =	ssyncset.done $0x0  }
0x195: {  	[sflag:s12] =	ssyncadd.s32 $0xFFFFC000  }
0x196: {  	v3 =	vld [tilespmem:$0x1F00];
	_ =	sdelay $0x4  }
0x197: {  	v62 =	vshll.u32 v3, $0x3  }
0x198: {  	v3 =	vand.u32 $0x7, v3;
	v4 =	vand.u32 $0xFFFFFFC0, v62  }
0x199: {  	v3 =	vor.u32 v3, v4  }
0x19a: {  	v4 =	vperm.xlane v3, v0;
	_ =	sdelay $0x1  }
0x19b: {  	v4 =	vadd.s32 v1, v4;
	_ =	sdelay $0x4  }
0x19c: {  	[tilespmem:s11], [sflag:$0x3] =	stream.indirect_vreg.gather [hbm4b:s1+s3], $0x80, v4, vm0, $0xb8;
	[tilespmem:$0x1A000] =	vst v63  }
0x19d: {  	s25 =	simm.s32 $0xA800;
	v3 =	vperm.xlane v3, v2  }
0x19e: {  	[tilespmem:s25], [sflag:$0x3] =	stream.indirect_vreg.gather [hbm4b:s5+s3], $0x80, v4, vm0, $0xb8;
	[tilespmem:$0x1A000] =	vst v63  }
0x19f: {  	s7 =	simm.s32 $0xB000;
	v3 =	vadd.s32 v1, v3  }
0x1a0: {  	[tilespmem:s7], [sflag:$0x3] =	stream.indirect_vreg.gather [hbm4b:s6+s3], $0x80, v4, vm0, $0xb8;
	[tilespmem:$0x1A000] =	vst v63  }
0x1a1: {  	s16 =	simm.s32 $0xB800  }
0x1a2: {  	[tilespmem:s16], [sflag:$0x3] =	stream.indirect_vreg.gather [hbm4b:s8+s3], $0x80, v4, vm0, $0xb8;
	[tilespmem:$0x1A000] =	vst v63  }
0x1a3: {  	s17 =	simm.s32 $0xC000  }
0x1a4: {  	[tilespmem:s17], [sflag:$0x3] =	stream.indirect_vreg.gather [hbm4b:s1+s3], $0x80, v3, vm0, $0xb8;
	[tilespmem:$0x1A000] =	vst v63  }
0x1a5: {  	s20 =	simm.s32 $0xC800  }
0x1a6: {  	[tilespmem:s20], [sflag:$0x3] =	stream.indirect_vreg.gather [hbm4b:s5+s3], $0x80, v3, vm0, $0xb8;
	[tilespmem:$0x1A000] =	vst v63  }
0x1a7: {  	s25 =	simm.s32 $0xD000  }
0x1a8: {  	[tilespmem:s25], [sflag:$0x3] =	stream.indirect_vreg.gather [hbm4b:s6+s3], $0x80, v3, vm0, $0xb8;
	[tilespmem:$0x1A000] =	vst v63  }
0x1a9: {  	s7 =	simm.s32 $0xD800  }
0x1aa: {  	[tilespmem:s7], [sflag:$0x3] =	stream.indirect_vreg.gather [hbm4b:s8+s3], $0x80, v3, vm0, $0xb8;
	[tilespmem:$0x1A000] =	vst v63  }
0x1ab: {  	_ =	swait.ge [sflag:s22], $0x4000  }
0x1ac: {  	[sflag:s22] =	ssyncset.done $0x0  }
0x1ad: {  	s16 =	rddreg [dreg:$0xb];
	[sflag:s22] =	ssyncadd.s32 $0xFFFFC000  }
0x1ae: {  	[hbm4b:s16+s3] =	stream.linear.scatter [tilespmem:s26], [sflag:$0xC], $0x4000, $0x38;
	[tilespmem:$0x1A000] =	vst v63  }
0x1af: {  	_ =	swait.ge [sflag:s23], $0x4000  }
0x1b0: {  	[sflag:s23] =	ssyncset.done $0x0  }
0x1b1: {  	[sflag:s23] =	ssyncadd.s32 $0xFFFFC000  }
0x1b2: {  	v3 =	vld [tilespmem:$0x1F80];
	_ =	sdelay $0x4  }
0x1b3: {  	v63 =	vshll.u32 v3, $0x3  }
0x1b4: {  	v3 =	vand.u32 $0x7, v3;
	v4 =	vand.u32 $0xFFFFFFC0, v63  }
0x1b5: {  	v3 =	vor.u32 v3, v4  }
0x1b6: {  	v4 =	vperm.xlane v3, v0;
	_ =	sdelay $0x1  }
0x1b7: {  	v4 =	vadd.s32 v1, v4;
	_ =	sdelay $0x4  }
0x1b8: {  	[tilespmem:s15], [sflag:$0x4] =	stream.indirect_vreg.gather [hbm4b:s1+s3], $0x80, v4, vm0, $0xb8;
	[tilespmem:$0x1A000] =	vst v63  }
0x1b9: {  	s17 =	simm.s32 $0xE800;
	v3 =	vperm.xlane v3, v2  }
0x1ba: {  	[tilespmem:s17], [sflag:$0x4] =	stream.indirect_vreg.gather [hbm4b:s5+s3], $0x80, v4, vm0, $0xb8;
	[tilespmem:$0x1A000] =	vst v63  }
0x1bb: {  	s20 =	simm.s32 $0xF000;
	v3 =	vadd.s32 v1, v3  }
0x1bc: {  	[tilespmem:s20], [sflag:$0x4] =	stream.indirect_vreg.gather [hbm4b:s6+s3], $0x80, v4, vm0, $0xb8;
	[tilespmem:$0x1A000] =	vst v63  }
0x1bd: {  	s25 =	simm.s32 $0xF800  }
0x1be: {  	[tilespmem:s25], [sflag:$0x4] =	stream.indirect_vreg.gather [hbm4b:s8+s3], $0x80, v4, vm0, $0xb8;
	[tilespmem:$0x1A000] =	vst v63  }
0x1bf: {  	s7 =	simm.s32 $0x10000  }
0x1c0: {  	[tilespmem:s7], [sflag:$0x4] =	stream.indirect_vreg.gather [hbm4b:s1+s3], $0x80, v3, vm0, $0xb8;
	[tilespmem:$0x1A000] =	vst v63  }
0x1c1: {  	s16 =	simm.s32 $0x10800  }
0x1c2: {  	[tilespmem:s16], [sflag:$0x4] =	stream.indirect_vreg.gather [hbm4b:s5+s3], $0x80, v3, vm0, $0xb8;
	[tilespmem:$0x1A000] =	vst v63  }
0x1c3: {  	s17 =	simm.s32 $0x11000  }
0x1c4: {  	[tilespmem:s17], [sflag:$0x4] =	stream.indirect_vreg.gather [hbm4b:s6+s3], $0x80, v3, vm0, $0xb8;
	[tilespmem:$0x1A000] =	vst v63  }
0x1c5: {  	s20 =	simm.s32 $0x11800  }
0x1c6: {  	[tilespmem:s20], [sflag:$0x4] =	stream.indirect_vreg.gather [hbm4b:s8+s3], $0x80, v3, vm0, $0xb8;
	[tilespmem:$0x1A000] =	vst v63  }
0x1c7: {  	_ =	swait.ge [sflag:s28], $0x4000  }
0x1c8: {  	[sflag:s28] =	ssyncset.done $0x0  }
0x1c9: {  	s25 =	rddreg [dreg:$0xc];
	[sflag:s28] =	ssyncadd.s32 $0xFFFFC000  }
0x1ca: {  	[hbm4b:s25+s3] =	stream.linear.scatter [tilespmem:s0], [sflag:$0x7], $0x4000, $0x38;
	[tilespmem:$0x1A000] =	vst v63  }
0x1cb: {  	_ =	swait.ge [sflag:s24], $0x4000  }
0x1cc: {  	[sflag:s24] =	ssyncset.done $0x0  }
0x1cd: {  	[sflag:s24] =	ssyncadd.s32 $0xFFFFC000  }
0x1ce: {  	_ =	swait.ge [sflag:s13], $0x4000  }
0x1cf: {  	[sflag:s13] =	ssyncset.done $0x0  }
0x1d0: {  	s0 =	rddreg [dreg:$0xd];
	[sflag:s13] =	ssyncadd.s32 $0xFFFFC000  }
0x1d1: {  	[hbm4b:s0+s3] =	stream.linear.scatter [tilespmem:s4], [sflag:$0x8], $0x4000, $0x38;
	[tilespmem:$0x1A000] =	vst v63  }
0x1d2: {  	_ =	swait.ge [sflag:s31], $0x4000  }
0x1d3: {  	[sflag:s31] =	ssyncset.done $0x0  }
0x1d4: {  	[sflag:s31] =	ssyncadd.s32 $0xFFFFC000  }
0x1d5: {  	_ =	swait.ge [sflag:s18], $0x4000  }
0x1d6: {  	[sflag:s18] =	ssyncset.done $0x0  }
0x1d7: {  	s7 =	rddreg [dreg:$0xe];
	[sflag:s18] =	ssyncadd.s32 $0xFFFFC000  }
0x1d8: {  	[hbm4b:s7+s3] =	stream.linear.scatter [tilespmem:s11], [sflag:$0x9], $0x4000, $0x38;
	[tilespmem:$0x1A000] =	vst v63  }
0x1d9: {  	_ =	swait.ge [sflag:s9], $0x4000  }
0x1da: {  	[sflag:s9] =	ssyncset.done $0x0  }
0x1db: {  	[sflag:s9] =	ssyncadd.s32 $0xFFFFC000  }
0x1dc: {  	_ =	swait.ge [sflag:s10], $0x4000  }
0x1dd: {  	[sflag:s10] =	ssyncset.done $0x0  }
0x1de: {  	s16 =	rddreg [dreg:$0xf];
	[sflag:s10] =	ssyncadd.s32 $0xFFFFC000  }
0x1df: {  	[hbm4b:s16+s3] =	stream.linear.scatter [tilespmem:s15], [sflag:$0xA], $0x4000, $0x38;
	[tilespmem:$0x1A000] =	vst v63  }
0x1e0: {  	_ =	swait.ge [sflag:s19], $0x4000  }
0x1e1: {  	[sflag:s19] =	ssyncset.done $0x0  }
0x1e2: {  	[sflag:s19] =	ssyncadd.s32 $0xFFFFC000  }
0x1e3: {  	_ =	swait.ge [sflag:s12], $0x4000  }
0x1e4: {  	[sflag:s12] =	ssyncset.done $0x0  }
0x1e5: {  	[sflag:s12] =	ssyncadd.s32 $0xFFFFC000  }
0x1e6: {  	_ =	swait.ge [sflag:s23], $0x4000  }
0x1e7: {  	s17 =	rddreg [dreg:$0x11]  }
0x1e8: {  	s20 =	rddreg [dreg:$0x10];
	s11 =	sadd.s32 $0x1, s17  }
0x1e9: {  	p0 =	sne.s32 s11, s20  }
.Ltmp1:
0x1ea: {  	_ = 	snop;
	(pc) =	sbr.rel @p0 .LBB2_1-.Ltmp1, $4  }
0x1eb: {  	_ = 	snop  }
0x1ec: {  	s25 =	simm.s32 $0xA000;
	s0 =	simm.s32 $0x13000;
	s4 =	simm.s32 $0x14000  }
0x1ed: {  	s7 =	simm.s32 $0xE000;
	s15 =	simm.s32 $0x12800;
	[sflag:s23] =	ssyncset.done $0x0  }
0x1ee: {  	s16 =	simm.s32 $0x13800;
	[sflag:s23] =	ssyncadd.s32 $0xFFFFC000;
	s17 =	simm.s32 $0x14800  }
0x1ef: {  	_ =	sfence.sel $0x180000  }
0x1f0: {  	[bflag:$0x0] =	sbarrier.arrive $0xFFFF  }
0x1f1: {  	_ =	strace $0x90000047  }
0x1f2: {  	s0 =	stileid.u32;
	[bflag:$0x2] =	sbarrier.arrive $0xFFFF  }
0x1f3: {  	p0 =	sne.s32 s0, $0x0;
	s0 =	rddreg [dreg:$0x3]  }
0x1f4: {  	s0 =	sadd.s32 @!p0 $0x100000, s0  }
0x1f5: {  	[sflag:s0] =	ssyncadd.tile.s32 @!p0 $0x1;
	_ =	shalt  }
.Lfunc_end2:
_tile_overlayer_lowered:
.L_overlay_start_2:
0x1f6: {  	(tag) =	ssettag $0x2  }
0x1f7: {  	s0 =	rddreg [dreg:$0x0];
	s2 =	stileid.u32  }
0x1f8: {  	s1 =	rddreg [dreg:$0x1];
	p0 =	sne.s32 s2, $0x0  }
0x1f9: {  	s3 =	rddreg [dreg:$0x2];
	[bflag:$0x3] =	sbarrier.arrive $0xFFFF;
	s2 =	simm.s32 @!p0 $0x1C0D  }
0x1fa: {  	[timem:s3], [sflag:s2] =	dma.local @!p0 [hbm:s0], s1  }
0x1fb: {  	s0 =	simm.s32 @!p0 $0xD  }
0x1fc: {  	_ =	swait.ge @!p0 [sflag:s0], s1  }
0x1fd: {  	s1 =	ssub.s32 @!p0 $0x0, s1;
	[sflag:s0] =	ssyncset.done @!p0 $0x0  }
0x1fe: {  	[sflag:s0] =	ssyncadd.s32 @!p0 s1  }
0x1ff: {  	[bflag:$0x3] =	sbarrier.arrive $0xFFFF  }
0x200: {  	_ =	shalt  }

</sc_bundles>
